<compile_context>
chip_gen: v7x
topology: tpu7x:2x2x1
jax: 0.10.2.dev20260603
libtpu: 0.0.44.dev20260713+nightly
codegen_flags: <defaults>
</compile_context>

<pallas_src>
import jax
import jax.numpy as jnp
from jax import lax
from jax.experimental import pallas as pl
from jax.experimental.pallas import tpu as pltpu
from jax.experimental.pallas import tpu_sc as plsc

N, E, CIN, COUT, T = 10000, 160000, 128, 16, 16
NP = 10240
HALF = T * COUT // 2

NC, NS = 2, 16
NW = NC * NS
C = 128
NCHUNK = 40
E_PER_W = NCHUNK * C
EP = NW * E_PER_W
ZROWS = 128

ROWS = 640
GRID = NP // ROWS


def _tc_body(x_ref, g_ref, b_ref, m2a_ref, m2b_ref, m2c_ref, root_ref,
             bias_ref, za_ref, zb_ref, zc_ref, rt_ref):
    xb = x_ref[...]
    mu = jnp.mean(xb, axis=-1, keepdims=True)
    var = jnp.mean((xb - mu) ** 2, axis=-1, keepdims=True)
    h = (xb - mu) * lax.rsqrt(var + 1e-5) * g_ref[...] + b_ref[...]
    h = jnp.maximum(h, 0.0)
    za_ref[...] = jnp.dot(h, m2a_ref[...], preferred_element_type=jnp.float32)
    zb_ref[...] = jnp.dot(h, m2b_ref[...], preferred_element_type=jnp.float32)
    zc_ref[...] = jnp.dot(h, m2c_ref[...], preferred_element_type=jnp.float32)
    rt_ref[...] = (
        jnp.dot(h, root_ref[...], preferred_element_type=jnp.float32)
        + bias_ref[...]
    )


def _tc_stage(x, ln_gamma, ln_beta, m2a, m2b, m2c, root, bias):
    grid = (GRID,)
    return pl.pallas_call(
        _tc_body,
        grid=grid,
        in_specs=[
            pl.BlockSpec((ROWS, CIN), lambda i: (i, 0)),
            pl.BlockSpec((1, CIN), lambda i: (0, 0)),
            pl.BlockSpec((1, CIN), lambda i: (0, 0)),
            pl.BlockSpec((CIN, HALF), lambda i: (0, 0)),
            pl.BlockSpec((CIN, HALF), lambda i: (0, 0)),
            pl.BlockSpec((CIN, COUT), lambda i: (0, 0)),
            pl.BlockSpec((CIN, COUT), lambda i: (0, 0)),
            pl.BlockSpec((1, COUT), lambda i: (0, 0)),
        ],
        out_specs=[
            pl.BlockSpec((ROWS, HALF), lambda i: (i, 0)),
            pl.BlockSpec((ROWS, HALF), lambda i: (i, 0)),
            pl.BlockSpec((ROWS, COUT), lambda i: (i, 0)),
            pl.BlockSpec((ROWS, COUT), lambda i: (i, 0)),
        ],
        out_shape=[
            jax.ShapeDtypeStruct((NP, HALF), jnp.float32),
            jax.ShapeDtypeStruct((NP, HALF), jnp.float32),
            jax.ShapeDtypeStruct((NP, COUT), jnp.float32),
            jax.ShapeDtypeStruct((NP, COUT), jnp.float32),
        ],
    )(x, ln_gamma.reshape(1, CIN), ln_beta.reshape(1, CIN), m2a, m2b, m2c,
      root, bias.reshape(1, COUT))


def _sc_body(za_hbm, zb_hbm, zc_hbm, eidx_hbm, ea_hbm, rt_hbm, out_hbm,
             aggr_sh, srcix, dstix, ea0, ea1, zra0, zra1, zrb0, zrb1,
             zrc0, zrc1, msg0, msg1, zbuf, sem0, sem1):
    cid = lax.axis_index("c")
    sid = lax.axis_index("s")
    wid = cid * NS + sid
    rpt = NP // NS

    def zrow(i, carry):
        zbuf[i, :] = jnp.zeros((COUT,), jnp.float32)
        return carry

    lax.fori_loop(0, ZROWS, zrow, 0, unroll=False)
    for m in range(rpt // ZROWS):
        pltpu.sync_copy(zbuf,
                        aggr_sh.at[pl.ds(sid * rpt + m * ZROWS, ZROWS)])

    @pl.when(cid == 0)
    def _():
        @pl.when(sid < NS - 1)
        def _():
            pltpu.sync_copy(rt_hbm.at[pl.ds(sid * rpt, rpt)],
                            aggr_sh.at[pl.ds(sid * rpt, rpt)])

        @pl.when(sid == NS - 1)
        def _():
            pltpu.sync_copy(rt_hbm.at[pl.ds((NS - 1) * rpt, N - (NS - 1) * rpt)],
                            aggr_sh.at[pl.ds((NS - 1) * rpt, N - (NS - 1) * rpt)])

    pltpu.sync_copy(eidx_hbm.at[0, wid], srcix)
    pltpu.sync_copy(eidx_hbm.at[1, wid], dstix)

    def ea_base(k):
        return jnp.minimum(wid * E_PER_W + k * C, E - C)

    def fetch(k, zra, zrb, zrc, ea, sem):
        idx = srcix.at[k]
        pltpu.async_copy(za_hbm.at[idx], zra, sem)
        pltpu.async_copy(zb_hbm.at[idx], zrb, sem)
        pltpu.async_copy(zc_hbm.at[idx], zrc, sem)
        pltpu.async_copy(ea_hbm.at[pl.ds(ea_base(k), C)], ea, sem)

    def drain(k, zra, zrb, zrc, ea, sem):
        idx = srcix.at[k]
        pltpu.make_async_copy(za_hbm.at[idx], zra, sem).wait()
        pltpu.make_async_copy(zb_hbm.at[idx], zrb, sem).wait()
        pltpu.make_async_copy(zc_hbm.at[idx], zrc, sem).wait()
        pltpu.make_async_copy(ea_hbm.at[pl.ds(ea_base(k), C)], ea, sem).wait()

    def compute(k, zra, zrb, zrc, ea, msg):
        def edge(c, carry):
            ea_vec = ea[c, :]
            acc = zrc[c, :]
            for t in range(8):
                acc = acc + ea_vec[t] * zra[c, pl.ds(t * COUT, COUT)]
            for t in range(8):
                acc = acc + ea_vec[8 + t] * zrb[c, pl.ds(t * COUT, COUT)]
            msg[c, :] = acc
            return carry

        lax.fori_loop(0, C, edge, 0, unroll=False)
        pltpu.sync_copy(msg, aggr_sh.at[dstix.at[k]], add=True)

    fetch(0, zra0, zrb0, zrc0, ea0, sem0)
    plsc.subcore_barrier()
    npair = NCHUNK // 2

    def pair(j, carry):
        a = 2 * j
        fetch(a + 1, zra1, zrb1, zrc1, ea1, sem1)
        drain(a, zra0, zrb0, zrc0, ea0, sem0)
        compute(a, zra0, zrb0, zrc0, ea0, msg0)

        @pl.when(j < npair - 1)
        def _():
            fetch(a + 2, zra0, zrb0, zrc0, ea0, sem0)

        drain(a + 1, zra1, zrb1, zrc1, ea1, sem1)
        compute(a + 1, zra1, zrb1, zrc1, ea1, msg1)
        return carry

    lax.fori_loop(0, npair, pair, 0, unroll=False)

    plsc.subcore_barrier()

    pltpu.sync_copy(aggr_sh.at[pl.ds(sid * rpt, rpt)],
                    out_hbm.at[cid, pl.ds(sid * rpt, rpt)])


_sc_stage = pl.kernel(
    _sc_body,
    out_type=jax.ShapeDtypeStruct((NC, NP, COUT), jnp.float32),
    mesh=plsc.VectorSubcoreMesh(core_axis_name="c", subcore_axis_name="s"),
    compiler_params=pltpu.CompilerParams(use_tc_tiling_on_sc=False),
    scratch_types=[
        pltpu.VMEM_SHARED((NP, COUT), jnp.float32),
        pltpu.VMEM((NCHUNK, C), jnp.int32),
        pltpu.VMEM((NCHUNK, C), jnp.int32),
        pltpu.VMEM((C, T), jnp.float32),
        pltpu.VMEM((C, T), jnp.float32),
        pltpu.VMEM((C, HALF), jnp.float32),
        pltpu.VMEM((C, HALF), jnp.float32),
        pltpu.VMEM((C, HALF), jnp.float32),
        pltpu.VMEM((C, HALF), jnp.float32),
        pltpu.VMEM((C, COUT), jnp.float32),
        pltpu.VMEM((C, COUT), jnp.float32),
        pltpu.VMEM((C, COUT), jnp.float32),
        pltpu.VMEM((C, COUT), jnp.float32),
        pltpu.VMEM((ZROWS, COUT), jnp.float32),
        pltpu.SemaphoreType.DMA,
        pltpu.SemaphoreType.DMA,
    ],
)


def kernel(x, edge_index, edge_attr, ln_gamma, ln_beta, nn_W, nn_b, root, bias):
    m2 = nn_W.reshape(T, CIN, COUT).transpose(1, 0, 2).reshape(CIN, T * COUT)
    m2a = m2[:, :HALF]
    m2b = m2[:, HALF:]
    m2c = nn_b.reshape(CIN, COUT)

    za, zb, zc, rt = _tc_stage(x, ln_gamma, ln_beta, m2a, m2b, m2c, root, bias)

    pad_n = EP - E
    pad_src = (jnp.arange(pad_n, dtype=jnp.int32) % N)[None]
    pad_dst = (N + jnp.arange(pad_n, dtype=jnp.int32) % (NP - N))[None]
    eidx = jnp.concatenate(
        [edge_index, jnp.concatenate([pad_src, pad_dst], axis=0)],
        axis=1).reshape(2, NW, NCHUNK, C)

    partial_sums = _sc_stage(za, zb, zc, eidx, edge_attr, rt)
    return (partial_sums[0] + partial_sums[1])[:N]

# --- scband reference (transcript-rebuilt; emitter-appended) ---
"""Pipeline reference for scband-edge-conv-33930241638504 (READ-ONLY COPY).

The authoritative reference and input builder live on the scoring server;
editing this copy changes nothing except your own understanding.
"""

import jax, jax.numpy as jnp
import numpy as np

N, E, CIN, COUT, T = 10000, 160000, 128, 16, 16


def setup_inputs(seed: int = 0) -> dict:
    key = jax.random.key(seed)
    ks = jax.random.split(key, 8)
    x = jax.random.normal(ks[0], (N, CIN), dtype=jnp.float32)
    edge_index = jax.random.randint(ks[1], (2, E), 0, N, dtype=jnp.int32)
    edge_attr = jax.random.normal(ks[2], (E, T), dtype=jnp.float32)
    # pre: LayerNorm params
    ln_gamma = jnp.ones((CIN,), dtype=jnp.float32)
    ln_beta = jnp.zeros((CIN,), dtype=jnp.float32)
    # edge_nn: Linear(t, in*out)
    nn_W = jax.random.normal(ks[3], (T, CIN * COUT), dtype=jnp.float32) * (1.0 / np.sqrt(T))
    nn_b = jnp.zeros((CIN * COUT,), dtype=jnp.float32)
    # NNConv root weight and bias
    root = jax.random.normal(ks[4], (CIN, COUT), dtype=jnp.float32) * (1.0 / np.sqrt(CIN))
    bias = jnp.zeros((COUT,), dtype=jnp.float32)
    return {"x": x, "edge_index": edge_index, "edge_attr": edge_attr,
            "ln_gamma": ln_gamma, "ln_beta": ln_beta,
            "nn_W": nn_W, "nn_b": nn_b, "root": root, "bias": bias}


def reference(x, edge_index, edge_attr, ln_gamma, ln_beta, nn_W, nn_b, root, bias):
    # pre: LayerNorm -> ReLU -> Dropout(eval: identity)
    mu = jnp.mean(x, axis=-1, keepdims=True)
    var = jnp.mean((x - mu) ** 2, axis=-1, keepdims=True)
    h = (x - mu) / jnp.sqrt(var + 1e-5) * ln_gamma + ln_beta
    h = jax.nn.relu(h)
    # ECConv / NNConv with aggr='add', root_weight=True, bias=True
    src = edge_index[0]
    dst = edge_index[1]
    xj = jnp.take(h, src, axis=0)                      # gather [E, CIN]
    W = (edge_attr @ nn_W + nn_b).reshape(-1, CIN, COUT)  # per-edge weight [E, CIN, COUT]
    msg = jnp.einsum('ei,eio->eo', xj, W)              # [E, COUT]
    aggr = jax.ops.segment_sum(msg, dst, num_segments=h.shape[0])  # scatter-add
    out = aggr + h @ root + bias
    return out

if __name__ == "__main__":
    import jax
    _d = setup_inputs()
    print(jax.jit(kernel)(*tuple(_d.values())))

</pallas_src>

<mosaic_0001>
#map = affine_map<(d0, d1) -> (0, 0)>
#map1 = affine_map<(d0, d1) -> (0, 0, 0, 0)>
#map2 = affine_map<(d0, d1) -> (0, 0, 0)>
module attributes {stable_mosaic.version = 14 : i64} {
  func.func @_sc_body(%arg0: i32, %arg1: i32, %arg2: memref<10240x128xf32, #tpu.memory_space<hbm>>, %arg3: memref<10240x128xf32, #tpu.memory_space<hbm>>, %arg4: memref<10240x16xf32, #tpu.memory_space<hbm>>, %arg5: memref<2x32x40x128xi32, #tpu.memory_space<hbm>>, %arg6: memref<160000x16xf32, #tpu.memory_space<hbm>>, %arg7: memref<10240x16xf32, #tpu.memory_space<hbm>>, %arg8: memref<2x10240x16xf32, #tpu.memory_space<hbm>>, %arg9: memref<10240x16xf32, #tpu.memory_space<vmem_shared>>, %arg10: memref<40x128xi32, #tpu.memory_space<vmem>>, %arg11: memref<40x128xi32, #tpu.memory_space<vmem>>, %arg12: memref<128x16xf32, #tpu.memory_space<vmem>>, %arg13: memref<128x16xf32, #tpu.memory_space<vmem>>, %arg14: memref<128x128xf32, #tpu.memory_space<vmem>>, %arg15: memref<128x128xf32, #tpu.memory_space<vmem>>, %arg16: memref<128x128xf32, #tpu.memory_space<vmem>>, %arg17: memref<128x128xf32, #tpu.memory_space<vmem>>, %arg18: memref<128x16xf32, #tpu.memory_space<vmem>>, %arg19: memref<128x16xf32, #tpu.memory_space<vmem>>, %arg20: memref<128x16xf32, #tpu.memory_space<vmem>>, %arg21: memref<128x16xf32, #tpu.memory_space<vmem>>, %arg22: memref<128x16xf32, #tpu.memory_space<vmem>>, %arg23: memref<!tpu.dma_semaphore, #tpu.memory_space<semaphore_mem>>, %arg24: memref<!tpu.dma_semaphore, #tpu.memory_space<semaphore_mem>>) attributes {dimension_semantics = [#tpu.dimension_semantics<core_parallel>, #tpu.dimension_semantics<subcore_parallel>], iteration_bounds = array<i64: 2, 16>, scalar_prefetch = 0 : i64, scratch_operands = 16 : i64, tpu.core_type = #tpu.core_type<sc_vector_subcore>, window_params = [{transform_indices = #map}, {transform_indices = #map}, {transform_indices = #map}, {transform_indices = #map1}, {transform_indices = #map}, {transform_indices = #map}, {transform_indices = #map2}]} {
    %mul3A = arith.constant 16 : i32
    %mul3A_0 = arith.muli %arg0, %mul3A : i32
    %add3A = arith.addi %mul3A_0, %arg1 : i32
    %scan3A = arith.constant 0 : i32
    %scan3A_1 = arith.constant 0 : i32
    %scan3A_2 = arith.constant 128 : i32
    %scan3A_3 = arith.addi %scan3A_1, %scan3A_2 : i32
    %scan3A_4 = arith.constant 1 : i32
    scf.for %scan3A_69 = %scan3A_1 to %scan3A_3 step %scan3A_4  : i32 {
      %broadcast_in_dim3A = arith.constant 0.000000e+00 : f32
      %broadcast_in_dim3A_70 = vector.broadcast %broadcast_in_dim3A : f32 to vector<16xf32>
      %swap3A = arith.index_cast %scan3A_69 : i32 to index
      %swap3A_71 = arith.constant 0 : index
      %swap3A_72 = tpu.vector_load %arg22[%swap3A, %swap3A_71] {strides = array<i32>} : memref<128x16xf32, #tpu.memory_space<vmem>>, vector<1x16xf32>,
      %swap3A_73 = vector.shape_cast %swap3A_72 : vector<1x16xf32> to vector<16xf32>
      %swap3A_74 = vector.shape_cast %broadcast_in_dim3A_70 : vector<16xf32> to vector<1x16xf32>
      tpu.vector_store %arg22[%swap3A, %swap3A_71], %swap3A_74 {strides = array<i32>} : memref<128x16xf32, #tpu.memory_space<vmem>>, vector<1x16xf32>,
    }
    %scan3A_5 = arith.constant 128 : i32
    %mul3A_6 = arith.constant 640 : i32
    %mul3A_7 = arith.muli %arg1, %mul3A_6 : i32
    %add3A_8 = arith.constant 0 : i32
    %add3A_9 = arith.addi %mul3A_7, %add3A_8 : i32
    "tpu.region"() ({
      %run_scoped3A_69 = tpu.sem_alloc : memref<!tpu.dma_semaphore, #tpu.memory_space<semaphore_mem>>
      %dma_start3A_70 = arith.constant 0 : i32
      %dma_start3A_71 = tpu.memref_slice %arg9[%add3A_9, %dma_start3A_70] : memref<10240x16xf32, #tpu.memory_space<vmem_shared>> -> memref<128x16xf32, #tpu.memory_space<vmem_shared>>
      %dma_start3A_72 = arith.constant 0 : i32
      %dma_start3A_73 = tpu.memref_slice %arg9[%add3A_9, %dma_start3A_72] : memref<10240x16xf32, #tpu.memory_space<vmem_shared>> -> memref<128x16xf32, #tpu.memory_space<vmem_shared>>
      tpu.enqueue_dma source(%arg22 : memref<128x16xf32, #tpu.memory_space<vmem>>) target(%dma_start3A_73 : memref<128x16xf32, #tpu.memory_space<vmem_shared>>) target_semaphore(%run_scoped3A_69 : memref<!tpu.dma_semaphore, #tpu.memory_space<semaphore_mem>>)
      %dma_wait3A = arith.constant 0 : i32
      %dma_wait3A_74 = tpu.memref_slice %arg9[%add3A_9, %dma_wait3A] : memref<10240x16xf32, #tpu.memory_space<vmem_shared>> -> memref<128x16xf32, #tpu.memory_space<vmem_shared>>
      %dma_wait3A_75 = arith.constant 0 : i32
      %dma_wait3A_76 = tpu.memref_slice %arg9[%add3A_9, %dma_wait3A_75] : memref<10240x16xf32, #tpu.memory_space<vmem_shared>> -> memref<128x16xf32, #tpu.memory_space<vmem_shared>>
      tpu.wait_dma2 semaphore(%run_scoped3A_69 : memref<!tpu.dma_semaphore, #tpu.memory_space<semaphore_mem>>) src(%arg22 : memref<128x16xf32, #tpu.memory_space<vmem>>) dst(%dma_wait3A_76 : memref<128x16xf32, #tpu.memory_space<vmem_shared>>)
      tpu.yield
    }) : () -> ()
    %mul3A_10 = arith.constant 640 : i32
    %mul3A_11 = arith.muli %arg1, %mul3A_10 : i32
    %add3A_12 = arith.constant 128 : i32
    %add3A_13 = arith.addi %mul3A_11, %add3A_12 : i32
    "tpu.region"() ({
      %run_scoped3A_69 = tpu.sem_alloc : memref<!tpu.dma_semaphore, #tpu.memory_space<semaphore_mem>>
      %dma_start3A_70 = arith.constant 0 : i32
      %dma_start3A_71 = tpu.memref_slice %arg9[%add3A_13, %dma_start3A_70] : memref<10240x16xf32, #tpu.memory_space<vmem_shared>> -> memref<128x16xf32, #tpu.memory_space<vmem_shared>>
      %dma_start3A_72 = arith.constant 0 : i32
      %dma_start3A_73 = tpu.memref_slice %arg9[%add3A_13, %dma_start3A_72] : memref<10240x16xf32, #tpu.memory_space<vmem_shared>> -> memref<128x16xf32, #tpu.memory_space<vmem_shared>>
      tpu.enqueue_dma source(%arg22 : memref<128x16xf32, #tpu.memory_space<vmem>>) target(%dma_start3A_73 : memref<128x16xf32, #tpu.memory_space<vmem_shared>>) target_semaphore(%run_scoped3A_69 : memref<!tpu.dma_semaphore, #tpu.memory_space<semaphore_mem>>)
      %dma_wait3A = arith.constant 0 : i32
      %dma_wait3A_74 = tpu.memref_slice %arg9[%add3A_13, %dma_wait3A] : memref<10240x16xf32, #tpu.memory_space<vmem_shared>> -> memref<128x16xf32, #tpu.memory_space<vmem_shared>>
      %dma_wait3A_75 = arith.constant 0 : i32
      %dma_wait3A_76 = tpu.memref_slice %arg9[%add3A_13, %dma_wait3A_75] : memref<10240x16xf32, #tpu.memory_space<vmem_shared>> -> memref<128x16xf32, #tpu.memory_space<vmem_shared>>
      tpu.wait_dma2 semaphore(%run_scoped3A_69 : memref<!tpu.dma_semaphore, #tpu.memory_space<semaphore_mem>>) src(%arg22 : memref<128x16xf32, #tpu.memory_space<vmem>>) dst(%dma_wait3A_76 : memref<128x16xf32, #tpu.memory_space<vmem_shared>>)
      tpu.yield
    }) : () -> ()
    %mul3A_14 = arith.constant 640 : i32
    %mul3A_15 = arith.muli %arg1, %mul3A_14 : i32
    %add3A_16 = arith.constant 256 : i32
    %add3A_17 = arith.addi %mul3A_15, %add3A_16 : i32
    "tpu.region"() ({
      %run_scoped3A_69 = tpu.sem_alloc : memref<!tpu.dma_semaphore, #tpu.memory_space<semaphore_mem>>
      %dma_start3A_70 = arith.constant 0 : i32
      %dma_start3A_71 = tpu.memref_slice %arg9[%add3A_17, %dma_start3A_70] : memref<10240x16xf32, #tpu.memory_space<vmem_shared>> -> memref<128x16xf32, #tpu.memory_space<vmem_shared>>
      %dma_start3A_72 = arith.constant 0 : i32
      %dma_start3A_73 = tpu.memref_slice %arg9[%add3A_17, %dma_start3A_72] : memref<10240x16xf32, #tpu.memory_space<vmem_shared>> -> memref<128x16xf32, #tpu.memory_space<vmem_shared>>
      tpu.enqueue_dma source(%arg22 : memref<128x16xf32, #tpu.memory_space<vmem>>) target(%dma_start3A_73 : memref<128x16xf32, #tpu.memory_space<vmem_shared>>) target_semaphore(%run_scoped3A_69 : memref<!tpu.dma_semaphore, #tpu.memory_space<semaphore_mem>>)
      %dma_wait3A = arith.constant 0 : i32
      %dma_wait3A_74 = tpu.memref_slice %arg9[%add3A_17, %dma_wait3A] : memref<10240x16xf32, #tpu.memory_space<vmem_shared>> -> memref<128x16xf32, #tpu.memory_space<vmem_shared>>
      %dma_wait3A_75 = arith.constant 0 : i32
      %dma_wait3A_76 = tpu.memref_slice %arg9[%add3A_17, %dma_wait3A_75] : memref<10240x16xf32, #tpu.memory_space<vmem_shared>> -> memref<128x16xf32, #tpu.memory_space<vmem_shared>>
      tpu.wait_dma2 semaphore(%run_scoped3A_69 : memref<!tpu.dma_semaphore, #tpu.memory_space<semaphore_mem>>) src(%arg22 : memref<128x16xf32, #tpu.memory_space<vmem>>) dst(%dma_wait3A_76 : memref<128x16xf32, #tpu.memory_space<vmem_shared>>)
      tpu.yield
    }) : () -> ()
    %mul3A_18 = arith.constant 640 : i32
    %mul3A_19 = arith.muli %arg1, %mul3A_18 : i32
    %add3A_20 = arith.constant 384 : i32
    %add3A_21 = arith.addi %mul3A_19, %add3A_20 : i32
    "tpu.region"() ({
      %run_scoped3A_69 = tpu.sem_alloc : memref<!tpu.dma_semaphore, #tpu.memory_space<semaphore_mem>>
      %dma_start3A_70 = arith.constant 0 : i32
      %dma_start3A_71 = tpu.memref_slice %arg9[%add3A_21, %dma_start3A_70] : memref<10240x16xf32, #tpu.memory_space<vmem_shared>> -> memref<128x16xf32, #tpu.memory_space<vmem_shared>>
      %dma_start3A_72 = arith.constant 0 : i32
      %dma_start3A_73 = tpu.memref_slice %arg9[%add3A_21, %dma_start3A_72] : memref<10240x16xf32, #tpu.memory_space<vmem_shared>> -> memref<128x16xf32, #tpu.memory_space<vmem_shared>>
      tpu.enqueue_dma source(%arg22 : memref<128x16xf32, #tpu.memory_space<vmem>>) target(%dma_start3A_73 : memref<128x16xf32, #tpu.memory_space<vmem_shared>>) target_semaphore(%run_scoped3A_69 : memref<!tpu.dma_semaphore, #tpu.memory_space<semaphore_mem>>)
      %dma_wait3A = arith.constant 0 : i32
      %dma_wait3A_74 = tpu.memref_slice %arg9[%add3A_21, %dma_wait3A] : memref<10240x16xf32, #tpu.memory_space<vmem_shared>> -> memref<128x16xf32, #tpu.memory_space<vmem_shared>>
      %dma_wait3A_75 = arith.constant 0 : i32
      %dma_wait3A_76 = tpu.memref_slice %arg9[%add3A_21, %dma_wait3A_75] : memref<10240x16xf32, #tpu.memory_space<vmem_shared>> -> memref<128x16xf32, #tpu.memory_space<vmem_shared>>
      tpu.wait_dma2 semaphore(%run_scoped3A_69 : memref<!tpu.dma_semaphore, #tpu.memory_space<semaphore_mem>>) src(%arg22 : memref<128x16xf32, #tpu.memory_space<vmem>>) dst(%dma_wait3A_76 : memref<128x16xf32, #tpu.memory_space<vmem_shared>>)
      tpu.yield
    }) : () -> ()
    %mul3A_22 = arith.constant 640 : i32
    %mul3A_23 = arith.muli %arg1, %mul3A_22 : i32
    %add3A_24 = arith.constant 512 : i32
    %add3A_25 = arith.addi %mul3A_23, %add3A_24 : i32
    "tpu.region"() ({
      %run_scoped3A_69 = tpu.sem_alloc : memref<!tpu.dma_semaphore, #tpu.memory_space<semaphore_mem>>
      %dma_start3A_70 = arith.constant 0 : i32
      %dma_start3A_71 = tpu.memref_slice %arg9[%add3A_25, %dma_start3A_70] : memref<10240x16xf32, #tpu.memory_space<vmem_shared>> -> memref<128x16xf32, #tpu.memory_space<vmem_shared>>
      %dma_start3A_72 = arith.constant 0 : i32
      %dma_start3A_73 = tpu.memref_slice %arg9[%add3A_25, %dma_start3A_72] : memref<10240x16xf32, #tpu.memory_space<vmem_shared>> -> memref<128x16xf32, #tpu.memory_space<vmem_shared>>
      tpu.enqueue_dma source(%arg22 : memref<128x16xf32, #tpu.memory_space<vmem>>) target(%dma_start3A_73 : memref<128x16xf32, #tpu.memory_space<vmem_shared>>) target_semaphore(%run_scoped3A_69 : memref<!tpu.dma_semaphore, #tpu.memory_space<semaphore_mem>>)
      %dma_wait3A = arith.constant 0 : i32
      %dma_wait3A_74 = tpu.memref_slice %arg9[%add3A_25, %dma_wait3A] : memref<10240x16xf32, #tpu.memory_space<vmem_shared>> -> memref<128x16xf32, #tpu.memory_space<vmem_shared>>
      %dma_wait3A_75 = arith.constant 0 : i32
      %dma_wait3A_76 = tpu.memref_slice %arg9[%add3A_25, %dma_wait3A_75] : memref<10240x16xf32, #tpu.memory_space<vmem_shared>> -> memref<128x16xf32, #tpu.memory_space<vmem_shared>>
      tpu.wait_dma2 semaphore(%run_scoped3A_69 : memref<!tpu.dma_semaphore, #tpu.memory_space<semaphore_mem>>) src(%arg22 : memref<128x16xf32, #tpu.memory_space<vmem>>) dst(%dma_wait3A_76 : memref<128x16xf32, #tpu.memory_space<vmem_shared>>)
      tpu.yield
    }) : () -> ()
    %eq3A = arith.constant 0 : i32
    %eq3A_26 = arith.cmpi eq, %arg0, %eq3A : i32
    %convert_element_type3A = arith.extui %eq3A_26 : i1 to i32
    %cond3A = arith.constant 0 : i32
    %cond3A_27 = arith.cmpi ne, %convert_element_type3A, %cond3A : i32
    scf.if %cond3A_27 {
      %lt3A = arith.constant 15 : i32
      %lt3A_69 = arith.cmpi slt, %arg1, %lt3A : i32
      %convert_element_type3A_70 = arith.extui %lt3A_69 : i1 to i32
      %cond3A_71 = arith.constant 0 : i32
      %cond3A_72 = arith.cmpi ne, %convert_element_type3A_70, %cond3A_71 : i32
      scf.if %cond3A_72 {
        %mul3A_78 = arith.constant 640 : i32
        %mul3A_79 = arith.muli %arg1, %mul3A_78 : i32
        %mul3A_80 = arith.constant 640 : i32
        %mul3A_81 = arith.muli %arg1, %mul3A_80 : i32
        "tpu.region"() ({
          %run_scoped3A_82 = tpu.sem_alloc : memref<!tpu.dma_semaphore, #tpu.memory_space<semaphore_mem>>
          %dma_start3A_83 = arith.constant 0 : i32
          %dma_start3A_84 = tpu.memref_slice %arg9[%mul3A_81, %dma_start3A_83] : memref<10240x16xf32, #tpu.memory_space<vmem_shared>> -> memref<640x16xf32, #tpu.memory_space<vmem_shared>>
          %dma_start3A_85 = arith.constant 0 : i32
          %dma_start3A_86 = tpu.memref_slice %arg7[%mul3A_79, %dma_start3A_85] : memref<10240x16xf32, #tpu.memory_space<hbm>> -> memref<640x16xf32, #tpu.memory_space<hbm>>
          tpu.enqueue_dma source(%dma_start3A_86 : memref<640x16xf32, #tpu.memory_space<hbm>>) target(%dma_start3A_84 : memref<640x16xf32, #tpu.memory_space<vmem_shared>>) target_semaphore(%run_scoped3A_82 : memref<!tpu.dma_semaphore, #tpu.memory_space<semaphore_mem>>)
          %dma_wait3A = arith.constant 0 : i32
          %dma_wait3A_87 = tpu.memref_slice %arg9[%mul3A_81, %dma_wait3A] : memref<10240x16xf32, #tpu.memory_space<vmem_shared>> -> memref<640x16xf32, #tpu.memory_space<vmem_shared>>
          %dma_wait3A_88 = arith.constant 0 : i32
          %dma_wait3A_89 = tpu.memref_slice %arg7[%mul3A_79, %dma_wait3A_88] : memref<10240x16xf32, #tpu.memory_space<hbm>> -> memref<640x16xf32, #tpu.memory_space<hbm>>
          tpu.wait_dma2 semaphore(%run_scoped3A_82 : memref<!tpu.dma_semaphore, #tpu.memory_space<semaphore_mem>>) src(%dma_wait3A_89 : memref<640x16xf32, #tpu.memory_space<hbm>>) dst(%dma_wait3A_87 : memref<640x16xf32, #tpu.memory_space<vmem_shared>>)
          tpu.yield
        }) : () -> ()
      } else {
      }
      %eq3A_73 = arith.constant 15 : i32
      %eq3A_74 = arith.cmpi eq, %arg1, %eq3A_73 : i32
      %convert_element_type3A_75 = arith.extui %eq3A_74 : i1 to i32
      %cond3A_76 = arith.constant 0 : i32
      %cond3A_77 = arith.cmpi ne, %convert_element_type3A_75, %cond3A_76 : i32
      scf.if %cond3A_77 {
        "tpu.region"() ({
          %run_scoped3A_78 = tpu.sem_alloc : memref<!tpu.dma_semaphore, #tpu.memory_space<semaphore_mem>>
          %dma_start3A_79 = arith.constant 9600 : i32
          %dma_start3A_80 = arith.constant 0 : i32
          %dma_start3A_81 = tpu.memref_slice %arg9[%dma_start3A_79, %dma_start3A_80] : memref<10240x16xf32, #tpu.memory_space<vmem_shared>> -> memref<400x16xf32, #tpu.memory_space<vmem_shared>>
          %dma_start3A_82 = arith.constant 9600 : i32
          %dma_start3A_83 = arith.constant 0 : i32
          %dma_start3A_84 = tpu.memref_slice %arg7[%dma_start3A_82, %dma_start3A_83] : memref<10240x16xf32, #tpu.memory_space<hbm>> -> memref<400x16xf32, #tpu.memory_space<hbm>>
          tpu.enqueue_dma source(%dma_start3A_84 : memref<400x16xf32, #tpu.memory_space<hbm>>) target(%dma_start3A_81 : memref<400x16xf32, #tpu.memory_space<vmem_shared>>) target_semaphore(%run_scoped3A_78 : memref<!tpu.dma_semaphore, #tpu.memory_space<semaphore_mem>>)
          %dma_wait3A = arith.constant 9600 : i32
          %dma_wait3A_85 = arith.constant 0 : i32
          %dma_wait3A_86 = tpu.memref_slice %arg9[%dma_wait3A, %dma_wait3A_85] : memref<10240x16xf32, #tpu.memory_space<vmem_shared>> -> memref<400x16xf32, #tpu.memory_space<vmem_shared>>
          %dma_wait3A_87 = arith.constant 9600 : i32
          %dma_wait3A_88 = arith.constant 0 : i32
          %dma_wait3A_89 = tpu.memref_slice %arg7[%dma_wait3A_87, %dma_wait3A_88] : memref<10240x16xf32, #tpu.memory_space<hbm>> -> memref<400x16xf32, #tpu.memory_space<hbm>>
          tpu.wait_dma2 semaphore(%run_scoped3A_78 : memref<!tpu.dma_semaphore, #tpu.memory_space<semaphore_mem>>) src(%dma_wait3A_89 : memref<400x16xf32, #tpu.memory_space<hbm>>) dst(%dma_wait3A_86 : memref<400x16xf32, #tpu.memory_space<vmem_shared>>)
          tpu.yield
        }) : () -> ()
      } else {
      }
    } else {
    }
    %run_scoped3A = arith.constant 0 : i32
    "tpu.region"() ({
      %run_scoped3A_69 = tpu.sem_alloc : memref<!tpu.dma_semaphore, #tpu.memory_space<semaphore_mem>>
      %dma_start3A_70 = arith.constant 0 : i32
      %dma_start3A_71 = arith.constant 0 : i32
      %dma_start3A_72 = tpu.memref_slice %arg5[%run_scoped3A, %add3A, %dma_start3A_70, %dma_start3A_71] : memref<2x32x40x128xi32, #tpu.memory_space<hbm>> -> memref<1x1x40x128xi32, #tpu.memory_space<hbm>>
      %dma_start3A_73 = tpu.memref_squeeze %dma_start3A_72 : memref<1x1x40x128xi32, #tpu.memory_space<hbm>> -> memref<40x128xi32, #tpu.memory_space<hbm>>
      %dma_start3A_74 = arith.constant 0 : i32
      %dma_start3A_75 = arith.constant 0 : i32
      %dma_start3A_76 = tpu.memref_slice %arg5[%run_scoped3A, %add3A, %dma_start3A_74, %dma_start3A_75] : memref<2x32x40x128xi32, #tpu.memory_space<hbm>> -> memref<1x1x40x128xi32, #tpu.memory_space<hbm>>
      %dma_start3A_77 = tpu.memref_squeeze %dma_start3A_76 : memref<1x1x40x128xi32, #tpu.memory_space<hbm>> -> memref<40x128xi32, #tpu.memory_space<hbm>>
      tpu.enqueue_dma source(%dma_start3A_77 : memref<40x128xi32, #tpu.memory_space<hbm>>) target(%arg10 : memref<40x128xi32, #tpu.memory_space<vmem>>) target_semaphore(%run_scoped3A_69 : memref<!tpu.dma_semaphore, #tpu.memory_space<semaphore_mem>>)
      %dma_wait3A = arith.constant 0 : i32
      %dma_wait3A_78 = arith.constant 0 : i32
      %dma_wait3A_79 = tpu.memref_slice %arg5[%run_scoped3A, %add3A, %dma_wait3A, %dma_wait3A_78] : memref<2x32x40x128xi32, #tpu.memory_space<hbm>> -> memref<1x1x40x128xi32, #tpu.memory_space<hbm>>
      %dma_wait3A_80 = tpu.memref_squeeze %dma_wait3A_79 : memref<1x1x40x128xi32, #tpu.memory_space<hbm>> -> memref<40x128xi32, #tpu.memory_space<hbm>>
      %dma_wait3A_81 = arith.constant 0 : i32
      %dma_wait3A_82 = arith.constant 0 : i32
      %dma_wait3A_83 = tpu.memref_slice %arg5[%run_scoped3A, %add3A, %dma_wait3A_81, %dma_wait3A_82] : memref<2x32x40x128xi32, #tpu.memory_space<hbm>> -> memref<1x1x40x128xi32, #tpu.memory_space<hbm>>
      %dma_wait3A_84 = tpu.memref_squeeze %dma_wait3A_83 : memref<1x1x40x128xi32, #tpu.memory_space<hbm>> -> memref<40x128xi32, #tpu.memory_space<hbm>>
      tpu.wait_dma2 semaphore(%run_scoped3A_69 : memref<!tpu.dma_semaphore, #tpu.memory_space<semaphore_mem>>) src(%dma_wait3A_84 : memref<40x128xi32, #tpu.memory_space<hbm>>) dst(%arg10 : memref<40x128xi32, #tpu.memory_space<vmem>>)
      tpu.yield
    }) : () -> ()
    %run_scoped3A_28 = arith.constant 1 : i32
    "tpu.region"() ({
      %run_scoped3A_69 = tpu.sem_alloc : memref<!tpu.dma_semaphore, #tpu.memory_space<semaphore_mem>>
      %dma_start3A_70 = arith.constant 0 : i32
      %dma_start3A_71 = arith.constant 0 : i32
      %dma_start3A_72 = tpu.memref_slice %arg5[%run_scoped3A_28, %add3A, %dma_start3A_70, %dma_start3A_71] : memref<2x32x40x128xi32, #tpu.memory_space<hbm>> -> memref<1x1x40x128xi32, #tpu.memory_space<hbm>>
      %dma_start3A_73 = tpu.memref_squeeze %dma_start3A_72 : memref<1x1x40x128xi32, #tpu.memory_space<hbm>> -> memref<40x128xi32, #tpu.memory_space<hbm>>
      %dma_start3A_74 = arith.constant 0 : i32
      %dma_start3A_75 = arith.constant 0 : i32
      %dma_start3A_76 = tpu.memref_slice %arg5[%run_scoped3A_28, %add3A, %dma_start3A_74, %dma_start3A_75] : memref<2x32x40x128xi32, #tpu.memory_space<hbm>> -> memref<1x1x40x128xi32, #tpu.memory_space<hbm>>
      %dma_start3A_77 = tpu.memref_squeeze %dma_start3A_76 : memref<1x1x40x128xi32, #tpu.memory_space<hbm>> -> memref<40x128xi32, #tpu.memory_space<hbm>>
      tpu.enqueue_dma source(%dma_start3A_77 : memref<40x128xi32, #tpu.memory_space<hbm>>) target(%arg11 : memref<40x128xi32, #tpu.memory_space<vmem>>) target_semaphore(%run_scoped3A_69 : memref<!tpu.dma_semaphore, #tpu.memory_space<semaphore_mem>>)
      %dma_wait3A = arith.constant 0 : i32
      %dma_wait3A_78 = arith.constant 0 : i32
      %dma_wait3A_79 = tpu.memref_slice %arg5[%run_scoped3A_28, %add3A, %dma_wait3A, %dma_wait3A_78] : memref<2x32x40x128xi32, #tpu.memory_space<hbm>> -> memref<1x1x40x128xi32, #tpu.memory_space<hbm>>
      %dma_wait3A_80 = tpu.memref_squeeze %dma_wait3A_79 : memref<1x1x40x128xi32, #tpu.memory_space<hbm>> -> memref<40x128xi32, #tpu.memory_space<hbm>>
      %dma_wait3A_81 = arith.constant 0 : i32
      %dma_wait3A_82 = arith.constant 0 : i32
      %dma_wait3A_83 = tpu.memref_slice %arg5[%run_scoped3A_28, %add3A, %dma_wait3A_81, %dma_wait3A_82] : memref<2x32x40x128xi32, #tpu.memory_space<hbm>> -> memref<1x1x40x128xi32, #tpu.memory_space<hbm>>
      %dma_wait3A_84 = tpu.memref_squeeze %dma_wait3A_83 : memref<1x1x40x128xi32, #tpu.memory_space<hbm>> -> memref<40x128xi32, #tpu.memory_space<hbm>>
      tpu.wait_dma2 semaphore(%run_scoped3A_69 : memref<!tpu.dma_semaphore, #tpu.memory_space<semaphore_mem>>) src(%dma_wait3A_84 : memref<40x128xi32, #tpu.memory_space<hbm>>) dst(%arg11 : memref<40x128xi32, #tpu.memory_space<vmem>>)
      tpu.yield
    }) : () -> ()
    %dma_start3A = arith.constant 0 : i32
    %dma_start3A_29 = arith.constant 0 : i32
    %dma_start3A_30 = tpu.memref_slice %arg10[%dma_start3A, %dma_start3A_29] : memref<40x128xi32, #tpu.memory_space<vmem>> -> memref<1x128xi32, #tpu.memory_space<vmem>>
    %dma_start3A_31 = tpu.memref_squeeze %dma_start3A_30 : memref<1x128xi32, #tpu.memory_space<vmem>> -> memref<128xi32, #tpu.memory_space<vmem>>
    %dma_start3A_32 = arith.constant 0 : i32
    %dma_start3A_33 = arith.constant 0 : i32
    %dma_start3A_34 = tpu.memref_slice %arg2[%dma_start3A_32, %dma_start3A_33] : memref<10240x128xf32, #tpu.memory_space<hbm>> -> memref<10240x128xf32, #tpu.memory_space<hbm>>
    tpu.enqueue_indirect_dma source(%dma_start3A_34 : memref<10240x128xf32, #tpu.memory_space<hbm>>) target(%arg14 : memref<128x128xf32, #tpu.memory_space<vmem>>) offsets(%dma_start3A_31 : memref<128xi32, #tpu.memory_space<vmem>>) semaphore(%arg23 : memref<!tpu.dma_semaphore, #tpu.memory_space<semaphore_mem>>)
    %dma_start3A_35 = arith.constant 0 : i32
    %dma_start3A_36 = arith.constant 0 : i32
    %dma_start3A_37 = tpu.memref_slice %arg10[%dma_start3A_35, %dma_start3A_36] : memref<40x128xi32, #tpu.memory_space<vmem>> -> memref<1x128xi32, #tpu.memory_space<vmem>>
    %dma_start3A_38 = tpu.memref_squeeze %dma_start3A_37 : memref<1x128xi32, #tpu.memory_space<vmem>> -> memref<128xi32, #tpu.memory_space<vmem>>
    %dma_start3A_39 = arith.constant 0 : i32
    %dma_start3A_40 = arith.constant 0 : i32
    %dma_start3A_41 = tpu.memref_slice %arg3[%dma_start3A_39, %dma_start3A_40] : memref<10240x128xf32, #tpu.memory_space<hbm>> -> memref<10240x128xf32, #tpu.memory_space<hbm>>
    tpu.enqueue_indirect_dma source(%dma_start3A_41 : memref<10240x128xf32, #tpu.memory_space<hbm>>) target(%arg16 : memref<128x128xf32, #tpu.memory_space<vmem>>) offsets(%dma_start3A_38 : memref<128xi32, #tpu.memory_space<vmem>>) semaphore(%arg23 : memref<!tpu.dma_semaphore, #tpu.memory_space<semaphore_mem>>)
    %dma_start3A_42 = arith.constant 0 : i32
    %dma_start3A_43 = arith.constant 0 : i32
    %dma_start3A_44 = tpu.memref_slice %arg10[%dma_start3A_42, %dma_start3A_43] : memref<40x128xi32, #tpu.memory_space<vmem>> -> memref<1x128xi32, #tpu.memory_space<vmem>>
    %dma_start3A_45 = tpu.memref_squeeze %dma_start3A_44 : memref<1x128xi32, #tpu.memory_space<vmem>> -> memref<128xi32, #tpu.memory_space<vmem>>
    %dma_start3A_46 = arith.constant 0 : i32
    %dma_start3A_47 = arith.constant 0 : i32
    %dma_start3A_48 = tpu.memref_slice %arg4[%dma_start3A_46, %dma_start3A_47] : memref<10240x16xf32, #tpu.memory_space<hbm>> -> memref<10240x16xf32, #tpu.memory_space<hbm>>
    tpu.enqueue_indirect_dma source(%dma_start3A_48 : memref<10240x16xf32, #tpu.memory_space<hbm>>) target(%arg18 : memref<128x16xf32, #tpu.memory_space<vmem>>) offsets(%dma_start3A_45 : memref<128xi32, #tpu.memory_space<vmem>>) semaphore(%arg23 : memref<!tpu.dma_semaphore, #tpu.memory_space<semaphore_mem>>)
    %mul3A_49 = arith.constant 5120 : i32
    %mul3A_50 = arith.muli %add3A, %mul3A_49 : i32
    %add3A_51 = arith.constant 0 : i32
    %add3A_52 = arith.addi %mul3A_50, %add3A_51 : i32
    %min3A = arith.constant 159872 : i32
    %min3A_53 = arith.minsi %add3A_52, %min3A : i32
    %dma_start3A_54 = arith.constant 0 : i32
    %dma_start3A_55 = tpu.memref_slice %arg6[%min3A_53, %dma_start3A_54] : memref<160000x16xf32, #tpu.memory_space<hbm>> -> memref<128x16xf32, #tpu.memory_space<hbm>>
    %dma_start3A_56 = arith.constant 0 : i32
    %dma_start3A_57 = tpu.memref_slice %arg6[%min3A_53, %dma_start3A_56] : memref<160000x16xf32, #tpu.memory_space<hbm>> -> memref<128x16xf32, #tpu.memory_space<hbm>>
    tpu.enqueue_dma source(%dma_start3A_57 : memref<128x16xf32, #tpu.memory_space<hbm>>) target(%arg12 : memref<128x16xf32, #tpu.memory_space<vmem>>) target_semaphore(%arg23 : memref<!tpu.dma_semaphore, #tpu.memory_space<semaphore_mem>>)
    %barrier3A = arith.constant 0 : index
    tpu.barrier barrier_id(%barrier3A)
    %scan3A_58 = arith.constant 0 : i32
    %scan3A_59 = arith.constant 0 : i32
    %scan3A_60 = arith.constant 20 : i32
    %scan3A_61 = arith.addi %scan3A_59, %scan3A_60 : i32
    %scan3A_62 = arith.constant 1 : i32
    scf.for %scan3A_69 = %scan3A_59 to %scan3A_61 step %scan3A_62  : i32 {
      %mul3A_70 = arith.constant 2 : i32
      %mul3A_71 = arith.muli %mul3A_70, %scan3A_69 : i32
      %add3A_72 = arith.constant 1 : i32
      %add3A_73 = arith.addi %mul3A_71, %add3A_72 : i32
      %dma_start3A_74 = arith.constant 0 : i32
      %dma_start3A_75 = tpu.memref_slice %arg10[%add3A_73, %dma_start3A_74] : memref<40x128xi32, #tpu.memory_space<vmem>> -> memref<1x128xi32, #tpu.memory_space<vmem>>
      %dma_start3A_76 = tpu.memref_squeeze %dma_start3A_75 : memref<1x128xi32, #tpu.memory_space<vmem>> -> memref<128xi32, #tpu.memory_space<vmem>>
      %dma_start3A_77 = arith.constant 0 : i32
      %dma_start3A_78 = arith.constant 0 : i32
      %dma_start3A_79 = tpu.memref_slice %arg2[%dma_start3A_77, %dma_start3A_78] : memref<10240x128xf32, #tpu.memory_space<hbm>> -> memref<10240x128xf32, #tpu.memory_space<hbm>>
      tpu.enqueue_indirect_dma source(%dma_start3A_79 : memref<10240x128xf32, #tpu.memory_space<hbm>>) target(%arg15 : memref<128x128xf32, #tpu.memory_space<vmem>>) offsets(%dma_start3A_76 : memref<128xi32, #tpu.memory_space<vmem>>) semaphore(%arg24 : memref<!tpu.dma_semaphore, #tpu.memory_space<semaphore_mem>>)
      %dma_start3A_80 = arith.constant 0 : i32
      %dma_start3A_81 = tpu.memref_slice %arg10[%add3A_73, %dma_start3A_80] : memref<40x128xi32, #tpu.memory_space<vmem>> -> memref<1x128xi32, #tpu.memory_space<vmem>>
      %dma_start3A_82 = tpu.memref_squeeze %dma_start3A_81 : memref<1x128xi32, #tpu.memory_space<vmem>> -> memref<128xi32, #tpu.memory_space<vmem>>
      %dma_start3A_83 = arith.constant 0 : i32
      %dma_start3A_84 = arith.constant 0 : i32
      %dma_start3A_85 = tpu.memref_slice %arg3[%dma_start3A_83, %dma_start3A_84] : memref<10240x128xf32, #tpu.memory_space<hbm>> -> memref<10240x128xf32, #tpu.memory_space<hbm>>
      tpu.enqueue_indirect_dma source(%dma_start3A_85 : memref<10240x128xf32, #tpu.memory_space<hbm>>) target(%arg17 : memref<128x128xf32, #tpu.memory_space<vmem>>) offsets(%dma_start3A_82 : memref<128xi32, #tpu.memory_space<vmem>>) semaphore(%arg24 : memref<!tpu.dma_semaphore, #tpu.memory_space<semaphore_mem>>)
      %dma_start3A_86 = arith.constant 0 : i32
      %dma_start3A_87 = tpu.memref_slice %arg10[%add3A_73, %dma_start3A_86] : memref<40x128xi32, #tpu.memory_space<vmem>> -> memref<1x128xi32, #tpu.memory_space<vmem>>
      %dma_start3A_88 = tpu.memref_squeeze %dma_start3A_87 : memref<1x128xi32, #tpu.memory_space<vmem>> -> memref<128xi32, #tpu.memory_space<vmem>>
      %dma_start3A_89 = arith.constant 0 : i32
      %dma_start3A_90 = arith.constant 0 : i32
      %dma_start3A_91 = tpu.memref_slice %arg4[%dma_start3A_89, %dma_start3A_90] : memref<10240x16xf32, #tpu.memory_space<hbm>> -> memref<10240x16xf32, #tpu.memory_space<hbm>>
      tpu.enqueue_indirect_dma source(%dma_start3A_91 : memref<10240x16xf32, #tpu.memory_space<hbm>>) target(%arg19 : memref<128x16xf32, #tpu.memory_space<vmem>>) offsets(%dma_start3A_88 : memref<128xi32, #tpu.memory_space<vmem>>) semaphore(%arg24 : memref<!tpu.dma_semaphore, #tpu.memory_space<semaphore_mem>>)
      %mul3A_92 = arith.constant 5120 : i32
      %mul3A_93 = arith.muli %add3A, %mul3A_92 : i32
      %mul3A_94 = arith.constant 128 : i32
      %mul3A_95 = arith.muli %add3A_73, %mul3A_94 : i32
      %add3A_96 = arith.addi %mul3A_93, %mul3A_95 : i32
      %min3A_97 = arith.constant 159872 : i32
      %min3A_98 = arith.minsi %add3A_96, %min3A_97 : i32
      %dma_start3A_99 = arith.constant 0 : i32
      %dma_start3A_100 = tpu.memref_slice %arg6[%min3A_98, %dma_start3A_99] : memref<160000x16xf32, #tpu.memory_space<hbm>> -> memref<128x16xf32, #tpu.memory_space<hbm>>
      %dma_start3A_101 = arith.constant 0 : i32
      %dma_start3A_102 = tpu.memref_slice %arg6[%min3A_98, %dma_start3A_101] : memref<160000x16xf32, #tpu.memory_space<hbm>> -> memref<128x16xf32, #tpu.memory_space<hbm>>
      tpu.enqueue_dma source(%dma_start3A_102 : memref<128x16xf32, #tpu.memory_space<hbm>>) target(%arg13 : memref<128x16xf32, #tpu.memory_space<vmem>>) target_semaphore(%arg24 : memref<!tpu.dma_semaphore, #tpu.memory_space<semaphore_mem>>)
      %dma_wait3A = arith.constant 0 : i32
      %dma_wait3A_103 = tpu.memref_slice %arg10[%mul3A_71, %dma_wait3A] : memref<40x128xi32, #tpu.memory_space<vmem>> -> memref<1x128xi32, #tpu.memory_space<vmem>>
      %dma_wait3A_104 = tpu.memref_squeeze %dma_wait3A_103 : memref<1x128xi32, #tpu.memory_space<vmem>> -> memref<128xi32, #tpu.memory_space<vmem>>
      %dma_wait3A_105 = arith.constant 0 : i32
      %dma_wait3A_106 = arith.constant 0 : i32
      %dma_wait3A_107 = tpu.memref_slice %arg2[%dma_wait3A_105, %dma_wait3A_106] : memref<10240x128xf32, #tpu.memory_space<hbm>> -> memref<10240x128xf32, #tpu.memory_space<hbm>>
      tpu.wait_indirect_dma semaphore(%arg23 : memref<!tpu.dma_semaphore, #tpu.memory_space<semaphore_mem>>) src(%dma_wait3A_107 : memref<10240x128xf32, #tpu.memory_space<hbm>>) dst(%arg14 : memref<128x128xf32, #tpu.memory_space<vmem>>)
      %dma_wait3A_108 = arith.constant 0 : i32
      %dma_wait3A_109 = tpu.memref_slice %arg10[%mul3A_71, %dma_wait3A_108] : memref<40x128xi32, #tpu.memory_space<vmem>> -> memref<1x128xi32, #tpu.memory_space<vmem>>
      %dma_wait3A_110 = tpu.memref_squeeze %dma_wait3A_109 : memref<1x128xi32, #tpu.memory_space<vmem>> -> memref<128xi32, #tpu.memory_space<vmem>>
      %dma_wait3A_111 = arith.constant 0 : i32
      %dma_wait3A_112 = arith.constant 0 : i32
      %dma_wait3A_113 = tpu.memref_slice %arg3[%dma_wait3A_111, %dma_wait3A_112] : memref<10240x128xf32, #tpu.memory_space<hbm>> -> memref<10240x128xf32, #tpu.memory_space<hbm>>
      tpu.wait_indirect_dma semaphore(%arg23 : memref<!tpu.dma_semaphore, #tpu.memory_space<semaphore_mem>>) src(%dma_wait3A_113 : memref<10240x128xf32, #tpu.memory_space<hbm>>) dst(%arg16 : memref<128x128xf32, #tpu.memory_space<vmem>>)
      %dma_wait3A_114 = arith.constant 0 : i32
      %dma_wait3A_115 = tpu.memref_slice %arg10[%mul3A_71, %dma_wait3A_114] : memref<40x128xi32, #tpu.memory_space<vmem>> -> memref<1x128xi32, #tpu.memory_space<vmem>>
      %dma_wait3A_116 = tpu.memref_squeeze %dma_wait3A_115 : memref<1x128xi32, #tpu.memory_space<vmem>> -> memref<128xi32, #tpu.memory_space<vmem>>
      %dma_wait3A_117 = arith.constant 0 : i32
      %dma_wait3A_118 = arith.constant 0 : i32
      %dma_wait3A_119 = tpu.memref_slice %arg4[%dma_wait3A_117, %dma_wait3A_118] : memref<10240x16xf32, #tpu.memory_space<hbm>> -> memref<10240x16xf32, #tpu.memory_space<hbm>>
      tpu.wait_indirect_dma semaphore(%arg23 : memref<!tpu.dma_semaphore, #tpu.memory_space<semaphore_mem>>) src(%dma_wait3A_119 : memref<10240x16xf32, #tpu.memory_space<hbm>>) dst(%arg18 : memref<128x16xf32, #tpu.memory_space<vmem>>)
      %mul3A_120 = arith.constant 5120 : i32
      %mul3A_121 = arith.muli %add3A, %mul3A_120 : i32
      %mul3A_122 = arith.constant 128 : i32
      %mul3A_123 = arith.muli %mul3A_71, %mul3A_122 : i32
      %add3A_124 = arith.addi %mul3A_121, %mul3A_123 : i32
      %min3A_125 = arith.constant 159872 : i32
      %min3A_126 = arith.minsi %add3A_124, %min3A_125 : i32
      %dma_wait3A_127 = arith.constant 0 : i32
      %dma_wait3A_128 = tpu.memref_slice %arg6[%min3A_126, %dma_wait3A_127] : memref<160000x16xf32, #tpu.memory_space<hbm>> -> memref<128x16xf32, #tpu.memory_space<hbm>>
      %dma_wait3A_129 = arith.constant 0 : i32
      %dma_wait3A_130 = tpu.memref_slice %arg6[%min3A_126, %dma_wait3A_129] : memref<160000x16xf32, #tpu.memory_space<hbm>> -> memref<128x16xf32, #tpu.memory_space<hbm>>
      tpu.wait_dma2 semaphore(%arg23 : memref<!tpu.dma_semaphore, #tpu.memory_space<semaphore_mem>>) src(%dma_wait3A_130 : memref<128x16xf32, #tpu.memory_space<hbm>>) dst(%arg12 : memref<128x16xf32, #tpu.memory_space<vmem>>)
      %scan3A_131 = arith.constant 0 : i32
      %scan3A_132 = arith.constant 0 : i32
      %scan3A_133 = arith.constant 128 : i32
      %scan3A_134 = arith.addi %scan3A_132, %scan3A_133 : i32
      %scan3A_135 = arith.constant 1 : i32
      scf.for %scan3A_180 = %scan3A_132 to %scan3A_134 step %scan3A_135  : i32 {
        %get3A = arith.index_cast %scan3A_180 : i32 to index
        %get3A_181 = arith.constant 0 : index
        %get3A_182 = tpu.vector_load %arg12[%get3A, %get3A_181] {strides = array<i32>} : memref<128x16xf32, #tpu.memory_space<vmem>>, vector<1x16xf32>,
        %get3A_183 = vector.shape_cast %get3A_182 : vector<1x16xf32> to vector<16xf32>
        %get3A_184 = arith.index_cast %scan3A_180 : i32 to index
        %get3A_185 = arith.constant 0 : index
        %get3A_186 = tpu.vector_load %arg18[%get3A_184, %get3A_185] {strides = array<i32>} : memref<128x16xf32, #tpu.memory_space<vmem>>, vector<1x16xf32>,
        %get3A_187 = vector.shape_cast %get3A_186 : vector<1x16xf32> to vector<16xf32>
        %slice3A = vector.extract_strided_slice %get3A_183 {offsets = [0], sizes = [1], strides = [1]} : vector<16xf32> to vector<1xf32>
        %squeeze3A = vector.extract %slice3A[0] : f32 from vector<1xf32>
        %get3A_188 = arith.index_cast %scan3A_180 : i32 to index
        %get3A_189 = arith.constant 0 : index
        %get3A_190 = tpu.vector_load %arg14[%get3A_188, %get3A_189] {strides = array<i32>} : memref<128x128xf32, #tpu.memory_space<vmem>>, vector<1x16xf32>,
        %get3A_191 = vector.shape_cast %get3A_190 : vector<1x16xf32> to vector<16xf32>
        %mul3A_192 = vector.broadcast %squeeze3A : f32 to vector<16xf32>
        %mul3A_193 = arith.mulf %mul3A_192, %get3A_191 : vector<16xf32>
        %add3A_194 = arith.addf %get3A_187, %mul3A_193 : vector<16xf32>
        %slice3A_195 = vector.extract_strided_slice %get3A_183 {offsets = [1], sizes = [1], strides = [1]} : vector<16xf32> to vector<1xf32>
        %squeeze3A_196 = vector.extract %slice3A_195[0] : f32 from vector<1xf32>
        %get3A_197 = arith.index_cast %scan3A_180 : i32 to index
        %get3A_198 = arith.constant 16 : index
        %get3A_199 = tpu.vector_load %arg14[%get3A_197, %get3A_198] {strides = array<i32>} : memref<128x128xf32, #tpu.memory_space<vmem>>, vector<1x16xf32>,
        %get3A_200 = vector.shape_cast %get3A_199 : vector<1x16xf32> to vector<16xf32>
        %mul3A_201 = vector.broadcast %squeeze3A_196 : f32 to vector<16xf32>
        %mul3A_202 = arith.mulf %mul3A_201, %get3A_200 : vector<16xf32>
        %add3A_203 = arith.addf %add3A_194, %mul3A_202 : vector<16xf32>
        %slice3A_204 = vector.extract_strided_slice %get3A_183 {offsets = [2], sizes = [1], strides = [1]} : vector<16xf32> to vector<1xf32>
        %squeeze3A_205 = vector.extract %slice3A_204[0] : f32 from vector<1xf32>
        %get3A_206 = arith.index_cast %scan3A_180 : i32 to index
        %get3A_207 = arith.constant 32 : index
        %get3A_208 = tpu.vector_load %arg14[%get3A_206, %get3A_207] {strides = array<i32>} : memref<128x128xf32, #tpu.memory_space<vmem>>, vector<1x16xf32>,
        %get3A_209 = vector.shape_cast %get3A_208 : vector<1x16xf32> to vector<16xf32>
        %mul3A_210 = vector.broadcast %squeeze3A_205 : f32 to vector<16xf32>
        %mul3A_211 = arith.mulf %mul3A_210, %get3A_209 : vector<16xf32>
        %add3A_212 = arith.addf %add3A_203, %mul3A_211 : vector<16xf32>
        %slice3A_213 = vector.extract_strided_slice %get3A_183 {offsets = [3], sizes = [1], strides = [1]} : vector<16xf32> to vector<1xf32>
        %squeeze3A_214 = vector.extract %slice3A_213[0] : f32 from vector<1xf32>
        %get3A_215 = arith.index_cast %scan3A_180 : i32 to index
        %get3A_216 = arith.constant 48 : index
        %get3A_217 = tpu.vector_load %arg14[%get3A_215, %get3A_216] {strides = array<i32>} : memref<128x128xf32, #tpu.memory_space<vmem>>, vector<1x16xf32>,
        %get3A_218 = vector.shape_cast %get3A_217 : vector<1x16xf32> to vector<16xf32>
        %mul3A_219 = vector.broadcast %squeeze3A_214 : f32 to vector<16xf32>
        %mul3A_220 = arith.mulf %mul3A_219, %get3A_218 : vector<16xf32>
        %add3A_221 = arith.addf %add3A_212, %mul3A_220 : vector<16xf32>
        %slice3A_222 = vector.extract_strided_slice %get3A_183 {offsets = [4], sizes = [1], strides = [1]} : vector<16xf32> to vector<1xf32>
        %squeeze3A_223 = vector.extract %slice3A_222[0] : f32 from vector<1xf32>
        %get3A_224 = arith.index_cast %scan3A_180 : i32 to index
        %get3A_225 = arith.constant 64 : index
        %get3A_226 = tpu.vector_load %arg14[%get3A_224, %get3A_225] {strides = array<i32>} : memref<128x128xf32, #tpu.memory_space<vmem>>, vector<1x16xf32>,
        %get3A_227 = vector.shape_cast %get3A_226 : vector<1x16xf32> to vector<16xf32>
        %mul3A_228 = vector.broadcast %squeeze3A_223 : f32 to vector<16xf32>
        %mul3A_229 = arith.mulf %mul3A_228, %get3A_227 : vector<16xf32>
        %add3A_230 = arith.addf %add3A_221, %mul3A_229 : vector<16xf32>
        %slice3A_231 = vector.extract_strided_slice %get3A_183 {offsets = [5], sizes = [1], strides = [1]} : vector<16xf32> to vector<1xf32>
        %squeeze3A_232 = vector.extract %slice3A_231[0] : f32 from vector<1xf32>
        %get3A_233 = arith.index_cast %scan3A_180 : i32 to index
        %get3A_234 = arith.constant 80 : index
        %get3A_235 = tpu.vector_load %arg14[%get3A_233, %get3A_234] {strides = array<i32>} : memref<128x128xf32, #tpu.memory_space<vmem>>, vector<1x16xf32>,
        %get3A_236 = vector.shape_cast %get3A_235 : vector<1x16xf32> to vector<16xf32>
        %mul3A_237 = vector.broadcast %squeeze3A_232 : f32 to vector<16xf32>
        %mul3A_238 = arith.mulf %mul3A_237, %get3A_236 : vector<16xf32>
        %add3A_239 = arith.addf %add3A_230, %mul3A_238 : vector<16xf32>
        %slice3A_240 = vector.extract_strided_slice %get3A_183 {offsets = [6], sizes = [1], strides = [1]} : vector<16xf32> to vector<1xf32>
        %squeeze3A_241 = vector.extract %slice3A_240[0] : f32 from vector<1xf32>
        %get3A_242 = arith.index_cast %scan3A_180 : i32 to index
        %get3A_243 = arith.constant 96 : index
        %get3A_244 = tpu.vector_load %arg14[%get3A_242, %get3A_243] {strides = array<i32>} : memref<128x128xf32, #tpu.memory_space<vmem>>, vector<1x16xf32>,
        %get3A_245 = vector.shape_cast %get3A_244 : vector<1x16xf32> to vector<16xf32>
        %mul3A_246 = vector.broadcast %squeeze3A_241 : f32 to vector<16xf32>
        %mul3A_247 = arith.mulf %mul3A_246, %get3A_245 : vector<16xf32>
        %add3A_248 = arith.addf %add3A_239, %mul3A_247 : vector<16xf32>
        %slice3A_249 = vector.extract_strided_slice %get3A_183 {offsets = [7], sizes = [1], strides = [1]} : vector<16xf32> to vector<1xf32>
        %squeeze3A_250 = vector.extract %slice3A_249[0] : f32 from vector<1xf32>
        %get3A_251 = arith.index_cast %scan3A_180 : i32 to index
        %get3A_252 = arith.constant 112 : index
        %get3A_253 = tpu.vector_load %arg14[%get3A_251, %get3A_252] {strides = array<i32>} : memref<128x128xf32, #tpu.memory_space<vmem>>, vector<1x16xf32>,
        %get3A_254 = vector.shape_cast %get3A_253 : vector<1x16xf32> to vector<16xf32>
        %mul3A_255 = vector.broadcast %squeeze3A_250 : f32 to vector<16xf32>
        %mul3A_256 = arith.mulf %mul3A_255, %get3A_254 : vector<16xf32>
        %add3A_257 = arith.addf %add3A_248, %mul3A_256 : vector<16xf32>
        %slice3A_258 = vector.extract_strided_slice %get3A_183 {offsets = [8], sizes = [1], strides = [1]} : vector<16xf32> to vector<1xf32>
        %squeeze3A_259 = vector.extract %slice3A_258[0] : f32 from vector<1xf32>
        %get3A_260 = arith.index_cast %scan3A_180 : i32 to index
        %get3A_261 = arith.constant 0 : index
        %get3A_262 = tpu.vector_load %arg16[%get3A_260, %get3A_261] {strides = array<i32>} : memref<128x128xf32, #tpu.memory_space<vmem>>, vector<1x16xf32>,
        %get3A_263 = vector.shape_cast %get3A_262 : vector<1x16xf32> to vector<16xf32>
        %mul3A_264 = vector.broadcast %squeeze3A_259 : f32 to vector<16xf32>
        %mul3A_265 = arith.mulf %mul3A_264, %get3A_263 : vector<16xf32>
        %add3A_266 = arith.addf %add3A_257, %mul3A_265 : vector<16xf32>
        %slice3A_267 = vector.extract_strided_slice %get3A_183 {offsets = [9], sizes = [1], strides = [1]} : vector<16xf32> to vector<1xf32>
        %squeeze3A_268 = vector.extract %slice3A_267[0] : f32 from vector<1xf32>
        %get3A_269 = arith.index_cast %scan3A_180 : i32 to index
        %get3A_270 = arith.constant 16 : index
        %get3A_271 = tpu.vector_load %arg16[%get3A_269, %get3A_270] {strides = array<i32>} : memref<128x128xf32, #tpu.memory_space<vmem>>, vector<1x16xf32>,
        %get3A_272 = vector.shape_cast %get3A_271 : vector<1x16xf32> to vector<16xf32>
        %mul3A_273 = vector.broadcast %squeeze3A_268 : f32 to vector<16xf32>
        %mul3A_274 = arith.mulf %mul3A_273, %get3A_272 : vector<16xf32>
        %add3A_275 = arith.addf %add3A_266, %mul3A_274 : vector<16xf32>
        %slice3A_276 = vector.extract_strided_slice %get3A_183 {offsets = [10], sizes = [1], strides = [1]} : vector<16xf32> to vector<1xf32>
        %squeeze3A_277 = vector.extract %slice3A_276[0] : f32 from vector<1xf32>
        %get3A_278 = arith.index_cast %scan3A_180 : i32 to index
        %get3A_279 = arith.constant 32 : index
        %get3A_280 = tpu.vector_load %arg16[%get3A_278, %get3A_279] {strides = array<i32>} : memref<128x128xf32, #tpu.memory_space<vmem>>, vector<1x16xf32>,
        %get3A_281 = vector.shape_cast %get3A_280 : vector<1x16xf32> to vector<16xf32>
        %mul3A_282 = vector.broadcast %squeeze3A_277 : f32 to vector<16xf32>
        %mul3A_283 = arith.mulf %mul3A_282, %get3A_281 : vector<16xf32>
        %add3A_284 = arith.addf %add3A_275, %mul3A_283 : vector<16xf32>
        %slice3A_285 = vector.extract_strided_slice %get3A_183 {offsets = [11], sizes = [1], strides = [1]} : vector<16xf32> to vector<1xf32>
        %squeeze3A_286 = vector.extract %slice3A_285[0] : f32 from vector<1xf32>
        %get3A_287 = arith.index_cast %scan3A_180 : i32 to index
        %get3A_288 = arith.constant 48 : index
        %get3A_289 = tpu.vector_load %arg16[%get3A_287, %get3A_288] {strides = array<i32>} : memref<128x128xf32, #tpu.memory_space<vmem>>, vector<1x16xf32>,
        %get3A_290 = vector.shape_cast %get3A_289 : vector<1x16xf32> to vector<16xf32>
        %mul3A_291 = vector.broadcast %squeeze3A_286 : f32 to vector<16xf32>
        %mul3A_292 = arith.mulf %mul3A_291, %get3A_290 : vector<16xf32>
        %add3A_293 = arith.addf %add3A_284, %mul3A_292 : vector<16xf32>
        %slice3A_294 = vector.extract_strided_slice %get3A_183 {offsets = [12], sizes = [1], strides = [1]} : vector<16xf32> to vector<1xf32>
        %squeeze3A_295 = vector.extract %slice3A_294[0] : f32 from vector<1xf32>
        %get3A_296 = arith.index_cast %scan3A_180 : i32 to index
        %get3A_297 = arith.constant 64 : index
        %get3A_298 = tpu.vector_load %arg16[%get3A_296, %get3A_297] {strides = array<i32>} : memref<128x128xf32, #tpu.memory_space<vmem>>, vector<1x16xf32>,
        %get3A_299 = vector.shape_cast %get3A_298 : vector<1x16xf32> to vector<16xf32>
        %mul3A_300 = vector.broadcast %squeeze3A_295 : f32 to vector<16xf32>
        %mul3A_301 = arith.mulf %mul3A_300, %get3A_299 : vector<16xf32>
        %add3A_302 = arith.addf %add3A_293, %mul3A_301 : vector<16xf32>
        %slice3A_303 = vector.extract_strided_slice %get3A_183 {offsets = [13], sizes = [1], strides = [1]} : vector<16xf32> to vector<1xf32>
        %squeeze3A_304 = vector.extract %slice3A_303[0] : f32 from vector<1xf32>
        %get3A_305 = arith.index_cast %scan3A_180 : i32 to index
        %get3A_306 = arith.constant 80 : index
        %get3A_307 = tpu.vector_load %arg16[%get3A_305, %get3A_306] {strides = array<i32>} : memref<128x128xf32, #tpu.memory_space<vmem>>, vector<1x16xf32>,
        %get3A_308 = vector.shape_cast %get3A_307 : vector<1x16xf32> to vector<16xf32>
        %mul3A_309 = vector.broadcast %squeeze3A_304 : f32 to vector<16xf32>
        %mul3A_310 = arith.mulf %mul3A_309, %get3A_308 : vector<16xf32>
        %add3A_311 = arith.addf %add3A_302, %mul3A_310 : vector<16xf32>
        %slice3A_312 = vector.extract_strided_slice %get3A_183 {offsets = [14], sizes = [1], strides = [1]} : vector<16xf32> to vector<1xf32>
        %squeeze3A_313 = vector.extract %slice3A_312[0] : f32 from vector<1xf32>
        %get3A_314 = arith.index_cast %scan3A_180 : i32 to index
        %get3A_315 = arith.constant 96 : index
        %get3A_316 = tpu.vector_load %arg16[%get3A_314, %get3A_315] {strides = array<i32>} : memref<128x128xf32, #tpu.memory_space<vmem>>, vector<1x16xf32>,
        %get3A_317 = vector.shape_cast %get3A_316 : vector<1x16xf32> to vector<16xf32>
        %mul3A_318 = vector.broadcast %squeeze3A_313 : f32 to vector<16xf32>
        %mul3A_319 = arith.mulf %mul3A_318, %get3A_317 : vector<16xf32>
        %add3A_320 = arith.addf %add3A_311, %mul3A_319 : vector<16xf32>
        %slice3A_321 = vector.extract_strided_slice %get3A_183 {offsets = [15], sizes = [1], strides = [1]} : vector<16xf32> to vector<1xf32>
        %squeeze3A_322 = vector.extract %slice3A_321[0] : f32 from vector<1xf32>
        %get3A_323 = arith.index_cast %scan3A_180 : i32 to index
        %get3A_324 = arith.constant 112 : index
        %get3A_325 = tpu.vector_load %arg16[%get3A_323, %get3A_324] {strides = array<i32>} : memref<128x128xf32, #tpu.memory_space<vmem>>, vector<1x16xf32>,
        %get3A_326 = vector.shape_cast %get3A_325 : vector<1x16xf32> to vector<16xf32>
        %mul3A_327 = vector.broadcast %squeeze3A_322 : f32 to vector<16xf32>
        %mul3A_328 = arith.mulf %mul3A_327, %get3A_326 : vector<16xf32>
        %add3A_329 = arith.addf %add3A_320, %mul3A_328 : vector<16xf32>
        %swap3A = arith.index_cast %scan3A_180 : i32 to index
        %swap3A_330 = arith.constant 0 : index
        %swap3A_331 = tpu.vector_load %arg20[%swap3A, %swap3A_330] {strides = array<i32>} : memref<128x16xf32, #tpu.memory_space<vmem>>, vector<1x16xf32>,
        %swap3A_332 = vector.shape_cast %swap3A_331 : vector<1x16xf32> to vector<16xf32>
        %swap3A_333 = vector.shape_cast %add3A_329 : vector<16xf32> to vector<1x16xf32>
        tpu.vector_store %arg20[%swap3A, %swap3A_330], %swap3A_333 {strides = array<i32>} : memref<128x16xf32, #tpu.memory_space<vmem>>, vector<1x16xf32>,
      }
      %scan3A_136 = arith.constant 128 : i32
      "tpu.region"() ({
        %run_scoped3A_180 = tpu.sem_alloc : memref<!tpu.dma_semaphore, #tpu.memory_space<semaphore_mem>>
        %dma_start3A_181 = arith.constant 0 : i32
        %dma_start3A_182 = tpu.memref_slice %arg11[%mul3A_71, %dma_start3A_181] : memref<40x128xi32, #tpu.memory_space<vmem>> -> memref<1x128xi32, #tpu.memory_space<vmem>>
        %dma_start3A_183 = tpu.memref_squeeze %dma_start3A_182 : memref<1x128xi32, #tpu.memory_space<vmem>> -> memref<128xi32, #tpu.memory_space<vmem>>
        %dma_start3A_184 = arith.constant 0 : i32
        %dma_start3A_185 = arith.constant 0 : i32
        %dma_start3A_186 = tpu.memref_slice %arg9[%dma_start3A_184, %dma_start3A_185] : memref<10240x16xf32, #tpu.memory_space<vmem_shared>> -> memref<10240x16xf32, #tpu.memory_space<vmem_shared>>
        tpu.enqueue_indirect_dma source(%arg20 : memref<128x16xf32, #tpu.memory_space<vmem>>) target(%dma_start3A_186 : memref<10240x16xf32, #tpu.memory_space<vmem_shared>>) offsets(%dma_start3A_183 : memref<128xi32, #tpu.memory_space<vmem>>) semaphore(%run_scoped3A_180 : memref<!tpu.dma_semaphore, #tpu.memory_space<semaphore_mem>>) {add = true}
        %dma_wait3A_187 = arith.constant 0 : i32
        %dma_wait3A_188 = tpu.memref_slice %arg11[%mul3A_71, %dma_wait3A_187] : memref<40x128xi32, #tpu.memory_space<vmem>> -> memref<1x128xi32, #tpu.memory_space<vmem>>
        %dma_wait3A_189 = tpu.memref_squeeze %dma_wait3A_188 : memref<1x128xi32, #tpu.memory_space<vmem>> -> memref<128xi32, #tpu.memory_space<vmem>>
        %dma_wait3A_190 = arith.constant 0 : i32
        %dma_wait3A_191 = arith.constant 0 : i32
        %dma_wait3A_192 = tpu.memref_slice %arg9[%dma_wait3A_190, %dma_wait3A_191] : memref<10240x16xf32, #tpu.memory_space<vmem_shared>> -> memref<10240x16xf32, #tpu.memory_space<vmem_shared>>
        tpu.wait_indirect_dma semaphore(%run_scoped3A_180 : memref<!tpu.dma_semaphore, #tpu.memory_space<semaphore_mem>>) src(%arg20 : memref<128x16xf32, #tpu.memory_space<vmem>>) dst(%dma_wait3A_192 : memref<10240x16xf32, #tpu.memory_space<vmem_shared>>)
        tpu.yield
      }) : () -> ()
      %lt3A = arith.constant 19 : i32
      %lt3A_137 = arith.cmpi slt, %scan3A_69, %lt3A : i32
      %convert_element_type3A_138 = arith.extui %lt3A_137 : i1 to i32
      %cond3A_139 = arith.constant 0 : i32
      %cond3A_140 = arith.cmpi ne, %convert_element_type3A_138, %cond3A_139 : i32
      scf.if %cond3A_140 {
        %add3A_180 = arith.constant 2 : i32
        %add3A_181 = arith.addi %mul3A_71, %add3A_180 : i32
        %dma_start3A_182 = arith.constant 0 : i32
        %dma_start3A_183 = tpu.memref_slice %arg10[%add3A_181, %dma_start3A_182] : memref<40x128xi32, #tpu.memory_space<vmem>> -> memref<1x128xi32, #tpu.memory_space<vmem>>
        %dma_start3A_184 = tpu.memref_squeeze %dma_start3A_183 : memref<1x128xi32, #tpu.memory_space<vmem>> -> memref<128xi32, #tpu.memory_space<vmem>>
        %dma_start3A_185 = arith.constant 0 : i32
        %dma_start3A_186 = arith.constant 0 : i32
        %dma_start3A_187 = tpu.memref_slice %arg2[%dma_start3A_185, %dma_start3A_186] : memref<10240x128xf32, #tpu.memory_space<hbm>> -> memref<10240x128xf32, #tpu.memory_space<hbm>>
        tpu.enqueue_indirect_dma source(%dma_start3A_187 : memref<10240x128xf32, #tpu.memory_space<hbm>>) target(%arg14 : memref<128x128xf32, #tpu.memory_space<vmem>>) offsets(%dma_start3A_184 : memref<128xi32, #tpu.memory_space<vmem>>) semaphore(%arg23 : memref<!tpu.dma_semaphore, #tpu.memory_space<semaphore_mem>>)
        %dma_start3A_188 = arith.constant 0 : i32
        %dma_start3A_189 = tpu.memref_slice %arg10[%add3A_181, %dma_start3A_188] : memref<40x128xi32, #tpu.memory_space<vmem>> -> memref<1x128xi32, #tpu.memory_space<vmem>>
        %dma_start3A_190 = tpu.memref_squeeze %dma_start3A_189 : memref<1x128xi32, #tpu.memory_space<vmem>> -> memref<128xi32, #tpu.memory_space<vmem>>
        %dma_start3A_191 = arith.constant 0 : i32
        %dma_start3A_192 = arith.constant 0 : i32
        %dma_start3A_193 = tpu.memref_slice %arg3[%dma_start3A_191, %dma_start3A_192] : memref<10240x128xf32, #tpu.memory_space<hbm>> -> memref<10240x128xf32, #tpu.memory_space<hbm>>
        tpu.enqueue_indirect_dma source(%dma_start3A_193 : memref<10240x128xf32, #tpu.memory_space<hbm>>) target(%arg16 : memref<128x128xf32, #tpu.memory_space<vmem>>) offsets(%dma_start3A_190 : memref<128xi32, #tpu.memory_space<vmem>>) semaphore(%arg23 : memref<!tpu.dma_semaphore, #tpu.memory_space<semaphore_mem>>)
        %dma_start3A_194 = arith.constant 0 : i32
        %dma_start3A_195 = tpu.memref_slice %arg10[%add3A_181, %dma_start3A_194] : memref<40x128xi32, #tpu.memory_space<vmem>> -> memref<1x128xi32, #tpu.memory_space<vmem>>
        %dma_start3A_196 = tpu.memref_squeeze %dma_start3A_195 : memref<1x128xi32, #tpu.memory_space<vmem>> -> memref<128xi32, #tpu.memory_space<vmem>>
        %dma_start3A_197 = arith.constant 0 : i32
        %dma_start3A_198 = arith.constant 0 : i32
        %dma_start3A_199 = tpu.memref_slice %arg4[%dma_start3A_197, %dma_start3A_198] : memref<10240x16xf32, #tpu.memory_space<hbm>> -> memref<10240x16xf32, #tpu.memory_space<hbm>>
        tpu.enqueue_indirect_dma source(%dma_start3A_199 : memref<10240x16xf32, #tpu.memory_space<hbm>>) target(%arg18 : memref<128x16xf32, #tpu.memory_space<vmem>>) offsets(%dma_start3A_196 : memref<128xi32, #tpu.memory_space<vmem>>) semaphore(%arg23 : memref<!tpu.dma_semaphore, #tpu.memory_space<semaphore_mem>>)
        %mul3A_200 = arith.constant 5120 : i32
        %mul3A_201 = arith.muli %add3A, %mul3A_200 : i32
        %mul3A_202 = arith.constant 128 : i32
        %mul3A_203 = arith.muli %add3A_181, %mul3A_202 : i32
        %add3A_204 = arith.addi %mul3A_201, %mul3A_203 : i32
        %min3A_205 = arith.constant 159872 : i32
        %min3A_206 = arith.minsi %add3A_204, %min3A_205 : i32
        %dma_start3A_207 = arith.constant 0 : i32
        %dma_start3A_208 = tpu.memref_slice %arg6[%min3A_206, %dma_start3A_207] : memref<160000x16xf32, #tpu.memory_space<hbm>> -> memref<128x16xf32, #tpu.memory_space<hbm>>
        %dma_start3A_209 = arith.constant 0 : i32
        %dma_start3A_210 = tpu.memref_slice %arg6[%min3A_206, %dma_start3A_209] : memref<160000x16xf32, #tpu.memory_space<hbm>> -> memref<128x16xf32, #tpu.memory_space<hbm>>
        tpu.enqueue_dma source(%dma_start3A_210 : memref<128x16xf32, #tpu.memory_space<hbm>>) target(%arg12 : memref<128x16xf32, #tpu.memory_space<vmem>>) target_semaphore(%arg23 : memref<!tpu.dma_semaphore, #tpu.memory_space<semaphore_mem>>)
      } else {
      }
      %add3A_141 = arith.constant 1 : i32
      %add3A_142 = arith.addi %mul3A_71, %add3A_141 : i32
      %dma_wait3A_143 = arith.constant 0 : i32
      %dma_wait3A_144 = tpu.memref_slice %arg10[%add3A_142, %dma_wait3A_143] : memref<40x128xi32, #tpu.memory_space<vmem>> -> memref<1x128xi32, #tpu.memory_space<vmem>>
      %dma_wait3A_145 = tpu.memref_squeeze %dma_wait3A_144 : memref<1x128xi32, #tpu.memory_space<vmem>> -> memref<128xi32, #tpu.memory_space<vmem>>
      %dma_wait3A_146 = arith.constant 0 : i32
      %dma_wait3A_147 = arith.constant 0 : i32
      %dma_wait3A_148 = tpu.memref_slice %arg2[%dma_wait3A_146, %dma_wait3A_147] : memref<10240x128xf32, #tpu.memory_space<hbm>> -> memref<10240x128xf32, #tpu.memory_space<hbm>>
      tpu.wait_indirect_dma semaphore(%arg24 : memref<!tpu.dma_semaphore, #tpu.memory_space<semaphore_mem>>) src(%dma_wait3A_148 : memref<10240x128xf32, #tpu.memory_space<hbm>>) dst(%arg15 : memref<128x128xf32, #tpu.memory_space<vmem>>)
      %dma_wait3A_149 = arith.constant 0 : i32
      %dma_wait3A_150 = tpu.memref_slice %arg10[%add3A_142, %dma_wait3A_149] : memref<40x128xi32, #tpu.memory_space<vmem>> -> memref<1x128xi32, #tpu.memory_space<vmem>>
      %dma_wait3A_151 = tpu.memref_squeeze %dma_wait3A_150 : memref<1x128xi32, #tpu.memory_space<vmem>> -> memref<128xi32, #tpu.memory_space<vmem>>
      %dma_wait3A_152 = arith.constant 0 : i32
      %dma_wait3A_153 = arith.constant 0 : i32
      %dma_wait3A_154 = tpu.memref_slice %arg3[%dma_wait3A_152, %dma_wait3A_153] : memref<10240x128xf32, #tpu.memory_space<hbm>> -> memref<10240x128xf32, #tpu.memory_space<hbm>>
      tpu.wait_indirect_dma semaphore(%arg24 : memref<!tpu.dma_semaphore, #tpu.memory_space<semaphore_mem>>) src(%dma_wait3A_154 : memref<10240x128xf32, #tpu.memory_space<hbm>>) dst(%arg17 : memref<128x128xf32, #tpu.memory_space<vmem>>)
      %dma_wait3A_155 = arith.constant 0 : i32
      %dma_wait3A_156 = tpu.memref_slice %arg10[%add3A_142, %dma_wait3A_155] : memref<40x128xi32, #tpu.memory_space<vmem>> -> memref<1x128xi32, #tpu.memory_space<vmem>>
      %dma_wait3A_157 = tpu.memref_squeeze %dma_wait3A_156 : memref<1x128xi32, #tpu.memory_space<vmem>> -> memref<128xi32, #tpu.memory_space<vmem>>
      %dma_wait3A_158 = arith.constant 0 : i32
      %dma_wait3A_159 = arith.constant 0 : i32
      %dma_wait3A_160 = tpu.memref_slice %arg4[%dma_wait3A_158, %dma_wait3A_159] : memref<10240x16xf32, #tpu.memory_space<hbm>> -> memref<10240x16xf32, #tpu.memory_space<hbm>>
      tpu.wait_indirect_dma semaphore(%arg24 : memref<!tpu.dma_semaphore, #tpu.memory_space<semaphore_mem>>) src(%dma_wait3A_160 : memref<10240x16xf32, #tpu.memory_space<hbm>>) dst(%arg19 : memref<128x16xf32, #tpu.memory_space<vmem>>)
      %mul3A_161 = arith.constant 5120 : i32
      %mul3A_162 = arith.muli %add3A, %mul3A_161 : i32
      %mul3A_163 = arith.constant 128 : i32
      %mul3A_164 = arith.muli %add3A_142, %mul3A_163 : i32
      %add3A_165 = arith.addi %mul3A_162, %mul3A_164 : i32
      %min3A_166 = arith.constant 159872 : i32
      %min3A_167 = arith.minsi %add3A_165, %min3A_166 : i32
      %dma_wait3A_168 = arith.constant 0 : i32
      %dma_wait3A_169 = tpu.memref_slice %arg6[%min3A_167, %dma_wait3A_168] : memref<160000x16xf32, #tpu.memory_space<hbm>> -> memref<128x16xf32, #tpu.memory_space<hbm>>
      %dma_wait3A_170 = arith.constant 0 : i32
      %dma_wait3A_171 = tpu.memref_slice %arg6[%min3A_167, %dma_wait3A_170] : memref<160000x16xf32, #tpu.memory_space<hbm>> -> memref<128x16xf32, #tpu.memory_space<hbm>>
      tpu.wait_dma2 semaphore(%arg24 : memref<!tpu.dma_semaphore, #tpu.memory_space<semaphore_mem>>) src(%dma_wait3A_171 : memref<128x16xf32, #tpu.memory_space<hbm>>) dst(%arg13 : memref<128x16xf32, #tpu.memory_space<vmem>>)
      %add3A_172 = arith.constant 1 : i32
      %add3A_173 = arith.addi %mul3A_71, %add3A_172 : i32
      %scan3A_174 = arith.constant 0 : i32
      %scan3A_175 = arith.constant 0 : i32
      %scan3A_176 = arith.constant 128 : i32
      %scan3A_177 = arith.addi %scan3A_175, %scan3A_176 : i32
      %scan3A_178 = arith.constant 1 : i32
      scf.for %scan3A_180 = %scan3A_175 to %scan3A_177 step %scan3A_178  : i32 {
        %get3A = arith.index_cast %scan3A_180 : i32 to index
        %get3A_181 = arith.constant 0 : index
        %get3A_182 = tpu.vector_load %arg13[%get3A, %get3A_181] {strides = array<i32>} : memref<128x16xf32, #tpu.memory_space<vmem>>, vector<1x16xf32>,
        %get3A_183 = vector.shape_cast %get3A_182 : vector<1x16xf32> to vector<16xf32>
        %get3A_184 = arith.index_cast %scan3A_180 : i32 to index
        %get3A_185 = arith.constant 0 : index
        %get3A_186 = tpu.vector_load %arg19[%get3A_184, %get3A_185] {strides = array<i32>} : memref<128x16xf32, #tpu.memory_space<vmem>>, vector<1x16xf32>,
        %get3A_187 = vector.shape_cast %get3A_186 : vector<1x16xf32> to vector<16xf32>
        %slice3A = vector.extract_strided_slice %get3A_183 {offsets = [0], sizes = [1], strides = [1]} : vector<16xf32> to vector<1xf32>
        %squeeze3A = vector.extract %slice3A[0] : f32 from vector<1xf32>
        %get3A_188 = arith.index_cast %scan3A_180 : i32 to index
        %get3A_189 = arith.constant 0 : index
        %get3A_190 = tpu.vector_load %arg15[%get3A_188, %get3A_189] {strides = array<i32>} : memref<128x128xf32, #tpu.memory_space<vmem>>, vector<1x16xf32>,
        %get3A_191 = vector.shape_cast %get3A_190 : vector<1x16xf32> to vector<16xf32>
        %mul3A_192 = vector.broadcast %squeeze3A : f32 to vector<16xf32>
        %mul3A_193 = arith.mulf %mul3A_192, %get3A_191 : vector<16xf32>
        %add3A_194 = arith.addf %get3A_187, %mul3A_193 : vector<16xf32>
        %slice3A_195 = vector.extract_strided_slice %get3A_183 {offsets = [1], sizes = [1], strides = [1]} : vector<16xf32> to vector<1xf32>
        %squeeze3A_196 = vector.extract %slice3A_195[0] : f32 from vector<1xf32>
        %get3A_197 = arith.index_cast %scan3A_180 : i32 to index
        %get3A_198 = arith.constant 16 : index
        %get3A_199 = tpu.vector_load %arg15[%get3A_197, %get3A_198] {strides = array<i32>} : memref<128x128xf32, #tpu.memory_space<vmem>>, vector<1x16xf32>,
        %get3A_200 = vector.shape_cast %get3A_199 : vector<1x16xf32> to vector<16xf32>
        %mul3A_201 = vector.broadcast %squeeze3A_196 : f32 to vector<16xf32>
        %mul3A_202 = arith.mulf %mul3A_201, %get3A_200 : vector<16xf32>
        %add3A_203 = arith.addf %add3A_194, %mul3A_202 : vector<16xf32>
        %slice3A_204 = vector.extract_strided_slice %get3A_183 {offsets = [2], sizes = [1], strides = [1]} : vector<16xf32> to vector<1xf32>
        %squeeze3A_205 = vector.extract %slice3A_204[0] : f32 from vector<1xf32>
        %get3A_206 = arith.index_cast %scan3A_180 : i32 to index
        %get3A_207 = arith.constant 32 : index
        %get3A_208 = tpu.vector_load %arg15[%get3A_206, %get3A_207] {strides = array<i32>} : memref<128x128xf32, #tpu.memory_space<vmem>>, vector<1x16xf32>,
        %get3A_209 = vector.shape_cast %get3A_208 : vector<1x16xf32> to vector<16xf32>
        %mul3A_210 = vector.broadcast %squeeze3A_205 : f32 to vector<16xf32>
        %mul3A_211 = arith.mulf %mul3A_210, %get3A_209 : vector<16xf32>
        %add3A_212 = arith.addf %add3A_203, %mul3A_211 : vector<16xf32>
        %slice3A_213 = vector.extract_strided_slice %get3A_183 {offsets = [3], sizes = [1], strides = [1]} : vector<16xf32> to vector<1xf32>
        %squeeze3A_214 = vector.extract %slice3A_213[0] : f32 from vector<1xf32>
        %get3A_215 = arith.index_cast %scan3A_180 : i32 to index
        %get3A_216 = arith.constant 48 : index
        %get3A_217 = tpu.vector_load %arg15[%get3A_215, %get3A_216] {strides = array<i32>} : memref<128x128xf32, #tpu.memory_space<vmem>>, vector<1x16xf32>,
        %get3A_218 = vector.shape_cast %get3A_217 : vector<1x16xf32> to vector<16xf32>
        %mul3A_219 = vector.broadcast %squeeze3A_214 : f32 to vector<16xf32>
        %mul3A_220 = arith.mulf %mul3A_219, %get3A_218 : vector<16xf32>
        %add3A_221 = arith.addf %add3A_212, %mul3A_220 : vector<16xf32>
        %slice3A_222 = vector.extract_strided_slice %get3A_183 {offsets = [4], sizes = [1], strides = [1]} : vector<16xf32> to vector<1xf32>
        %squeeze3A_223 = vector.extract %slice3A_222[0] : f32 from vector<1xf32>
        %get3A_224 = arith.index_cast %scan3A_180 : i32 to index
        %get3A_225 = arith.constant 64 : index
        %get3A_226 = tpu.vector_load %arg15[%get3A_224, %get3A_225] {strides = array<i32>} : memref<128x128xf32, #tpu.memory_space<vmem>>, vector<1x16xf32>,
        %get3A_227 = vector.shape_cast %get3A_226 : vector<1x16xf32> to vector<16xf32>
        %mul3A_228 = vector.broadcast %squeeze3A_223 : f32 to vector<16xf32>
        %mul3A_229 = arith.mulf %mul3A_228, %get3A_227 : vector<16xf32>
        %add3A_230 = arith.addf %add3A_221, %mul3A_229 : vector<16xf32>
        %slice3A_231 = vector.extract_strided_slice %get3A_183 {offsets = [5], sizes = [1], strides = [1]} : vector<16xf32> to vector<1xf32>
        %squeeze3A_232 = vector.extract %slice3A_231[0] : f32 from vector<1xf32>
        %get3A_233 = arith.index_cast %scan3A_180 : i32 to index
        %get3A_234 = arith.constant 80 : index
        %get3A_235 = tpu.vector_load %arg15[%get3A_233, %get3A_234] {strides = array<i32>} : memref<128x128xf32, #tpu.memory_space<vmem>>, vector<1x16xf32>,
        %get3A_236 = vector.shape_cast %get3A_235 : vector<1x16xf32> to vector<16xf32>
        %mul3A_237 = vector.broadcast %squeeze3A_232 : f32 to vector<16xf32>
        %mul3A_238 = arith.mulf %mul3A_237, %get3A_236 : vector<16xf32>
        %add3A_239 = arith.addf %add3A_230, %mul3A_238 : vector<16xf32>
        %slice3A_240 = vector.extract_strided_slice %get3A_183 {offsets = [6], sizes = [1], strides = [1]} : vector<16xf32> to vector<1xf32>
        %squeeze3A_241 = vector.extract %slice3A_240[0] : f32 from vector<1xf32>
        %get3A_242 = arith.index_cast %scan3A_180 : i32 to index
        %get3A_243 = arith.constant 96 : index
        %get3A_244 = tpu.vector_load %arg15[%get3A_242, %get3A_243] {strides = array<i32>} : memref<128x128xf32, #tpu.memory_space<vmem>>, vector<1x16xf32>,
        %get3A_245 = vector.shape_cast %get3A_244 : vector<1x16xf32> to vector<16xf32>
        %mul3A_246 = vector.broadcast %squeeze3A_241 : f32 to vector<16xf32>
        %mul3A_247 = arith.mulf %mul3A_246, %get3A_245 : vector<16xf32>
        %add3A_248 = arith.addf %add3A_239, %mul3A_247 : vector<16xf32>
        %slice3A_249 = vector.extract_strided_slice %get3A_183 {offsets = [7], sizes = [1], strides = [1]} : vector<16xf32> to vector<1xf32>
        %squeeze3A_250 = vector.extract %slice3A_249[0] : f32 from vector<1xf32>
        %get3A_251 = arith.index_cast %scan3A_180 : i32 to index
        %get3A_252 = arith.constant 112 : index
        %get3A_253 = tpu.vector_load %arg15[%get3A_251, %get3A_252] {strides = array<i32>} : memref<128x128xf32, #tpu.memory_space<vmem>>, vector<1x16xf32>,
        %get3A_254 = vector.shape_cast %get3A_253 : vector<1x16xf32> to vector<16xf32>
        %mul3A_255 = vector.broadcast %squeeze3A_250 : f32 to vector<16xf32>
        %mul3A_256 = arith.mulf %mul3A_255, %get3A_254 : vector<16xf32>
        %add3A_257 = arith.addf %add3A_248, %mul3A_256 : vector<16xf32>
        %slice3A_258 = vector.extract_strided_slice %get3A_183 {offsets = [8], sizes = [1], strides = [1]} : vector<16xf32> to vector<1xf32>
        %squeeze3A_259 = vector.extract %slice3A_258[0] : f32 from vector<1xf32>
        %get3A_260 = arith.index_cast %scan3A_180 : i32 to index
        %get3A_261 = arith.constant 0 : index
        %get3A_262 = tpu.vector_load %arg17[%get3A_260, %get3A_261] {strides = array<i32>} : memref<128x128xf32, #tpu.memory_space<vmem>>, vector<1x16xf32>,
        %get3A_263 = vector.shape_cast %get3A_262 : vector<1x16xf32> to vector<16xf32>
        %mul3A_264 = vector.broadcast %squeeze3A_259 : f32 to vector<16xf32>
        %mul3A_265 = arith.mulf %mul3A_264, %get3A_263 : vector<16xf32>
        %add3A_266 = arith.addf %add3A_257, %mul3A_265 : vector<16xf32>
        %slice3A_267 = vector.extract_strided_slice %get3A_183 {offsets = [9], sizes = [1], strides = [1]} : vector<16xf32> to vector<1xf32>
        %squeeze3A_268 = vector.extract %slice3A_267[0] : f32 from vector<1xf32>
        %get3A_269 = arith.index_cast %scan3A_180 : i32 to index
        %get3A_270 = arith.constant 16 : index
        %get3A_271 = tpu.vector_load %arg17[%get3A_269, %get3A_270] {strides = array<i32>} : memref<128x128xf32, #tpu.memory_space<vmem>>, vector<1x16xf32>,
        %get3A_272 = vector.shape_cast %get3A_271 : vector<1x16xf32> to vector<16xf32>
        %mul3A_273 = vector.broadcast %squeeze3A_268 : f32 to vector<16xf32>
        %mul3A_274 = arith.mulf %mul3A_273, %get3A_272 : vector<16xf32>
        %add3A_275 = arith.addf %add3A_266, %mul3A_274 : vector<16xf32>
        %slice3A_276 = vector.extract_strided_slice %get3A_183 {offsets = [10], sizes = [1], strides = [1]} : vector<16xf32> to vector<1xf32>
        %squeeze3A_277 = vector.extract %slice3A_276[0] : f32 from vector<1xf32>
        %get3A_278 = arith.index_cast %scan3A_180 : i32 to index
        %get3A_279 = arith.constant 32 : index
        %get3A_280 = tpu.vector_load %arg17[%get3A_278, %get3A_279] {strides = array<i32>} : memref<128x128xf32, #tpu.memory_space<vmem>>, vector<1x16xf32>,
        %get3A_281 = vector.shape_cast %get3A_280 : vector<1x16xf32> to vector<16xf32>
        %mul3A_282 = vector.broadcast %squeeze3A_277 : f32 to vector<16xf32>
        %mul3A_283 = arith.mulf %mul3A_282, %get3A_281 : vector<16xf32>
        %add3A_284 = arith.addf %add3A_275, %mul3A_283 : vector<16xf32>
        %slice3A_285 = vector.extract_strided_slice %get3A_183 {offsets = [11], sizes = [1], strides = [1]} : vector<16xf32> to vector<1xf32>
        %squeeze3A_286 = vector.extract %slice3A_285[0] : f32 from vector<1xf32>
        %get3A_287 = arith.index_cast %scan3A_180 : i32 to index
        %get3A_288 = arith.constant 48 : index
        %get3A_289 = tpu.vector_load %arg17[%get3A_287, %get3A_288] {strides = array<i32>} : memref<128x128xf32, #tpu.memory_space<vmem>>, vector<1x16xf32>,
        %get3A_290 = vector.shape_cast %get3A_289 : vector<1x16xf32> to vector<16xf32>
        %mul3A_291 = vector.broadcast %squeeze3A_286 : f32 to vector<16xf32>
        %mul3A_292 = arith.mulf %mul3A_291, %get3A_290 : vector<16xf32>
        %add3A_293 = arith.addf %add3A_284, %mul3A_292 : vector<16xf32>
        %slice3A_294 = vector.extract_strided_slice %get3A_183 {offsets = [12], sizes = [1], strides = [1]} : vector<16xf32> to vector<1xf32>
        %squeeze3A_295 = vector.extract %slice3A_294[0] : f32 from vector<1xf32>
        %get3A_296 = arith.index_cast %scan3A_180 : i32 to index
        %get3A_297 = arith.constant 64 : index
        %get3A_298 = tpu.vector_load %arg17[%get3A_296, %get3A_297] {strides = array<i32>} : memref<128x128xf32, #tpu.memory_space<vmem>>, vector<1x16xf32>,
        %get3A_299 = vector.shape_cast %get3A_298 : vector<1x16xf32> to vector<16xf32>
        %mul3A_300 = vector.broadcast %squeeze3A_295 : f32 to vector<16xf32>
        %mul3A_301 = arith.mulf %mul3A_300, %get3A_299 : vector<16xf32>
        %add3A_302 = arith.addf %add3A_293, %mul3A_301 : vector<16xf32>
        %slice3A_303 = vector.extract_strided_slice %get3A_183 {offsets = [13], sizes = [1], strides = [1]} : vector<16xf32> to vector<1xf32>
        %squeeze3A_304 = vector.extract %slice3A_303[0] : f32 from vector<1xf32>
        %get3A_305 = arith.index_cast %scan3A_180 : i32 to index
        %get3A_306 = arith.constant 80 : index
        %get3A_307 = tpu.vector_load %arg17[%get3A_305, %get3A_306] {strides = array<i32>} : memref<128x128xf32, #tpu.memory_space<vmem>>, vector<1x16xf32>,
        %get3A_308 = vector.shape_cast %get3A_307 : vector<1x16xf32> to vector<16xf32>
        %mul3A_309 = vector.broadcast %squeeze3A_304 : f32 to vector<16xf32>
        %mul3A_310 = arith.mulf %mul3A_309, %get3A_308 : vector<16xf32>
        %add3A_311 = arith.addf %add3A_302, %mul3A_310 : vector<16xf32>
        %slice3A_312 = vector.extract_strided_slice %get3A_183 {offsets = [14], sizes = [1], strides = [1]} : vector<16xf32> to vector<1xf32>
        %squeeze3A_313 = vector.extract %slice3A_312[0] : f32 from vector<1xf32>
        %get3A_314 = arith.index_cast %scan3A_180 : i32 to index
        %get3A_315 = arith.constant 96 : index
        %get3A_316 = tpu.vector_load %arg17[%get3A_314, %get3A_315] {strides = array<i32>} : memref<128x128xf32, #tpu.memory_space<vmem>>, vector<1x16xf32>,
        %get3A_317 = vector.shape_cast %get3A_316 : vector<1x16xf32> to vector<16xf32>
        %mul3A_318 = vector.broadcast %squeeze3A_313 : f32 to vector<16xf32>
        %mul3A_319 = arith.mulf %mul3A_318, %get3A_317 : vector<16xf32>
        %add3A_320 = arith.addf %add3A_311, %mul3A_319 : vector<16xf32>
        %slice3A_321 = vector.extract_strided_slice %get3A_183 {offsets = [15], sizes = [1], strides = [1]} : vector<16xf32> to vector<1xf32>
        %squeeze3A_322 = vector.extract %slice3A_321[0] : f32 from vector<1xf32>
        %get3A_323 = arith.index_cast %scan3A_180 : i32 to index
        %get3A_324 = arith.constant 112 : index
        %get3A_325 = tpu.vector_load %arg17[%get3A_323, %get3A_324] {strides = array<i32>} : memref<128x128xf32, #tpu.memory_space<vmem>>, vector<1x16xf32>,
        %get3A_326 = vector.shape_cast %get3A_325 : vector<1x16xf32> to vector<16xf32>
        %mul3A_327 = vector.broadcast %squeeze3A_322 : f32 to vector<16xf32>
        %mul3A_328 = arith.mulf %mul3A_327, %get3A_326 : vector<16xf32>
        %add3A_329 = arith.addf %add3A_320, %mul3A_328 : vector<16xf32>
        %swap3A = arith.index_cast %scan3A_180 : i32 to index
        %swap3A_330 = arith.constant 0 : index
        %swap3A_331 = tpu.vector_load %arg21[%swap3A, %swap3A_330] {strides = array<i32>} : memref<128x16xf32, #tpu.memory_space<vmem>>, vector<1x16xf32>,
        %swap3A_332 = vector.shape_cast %swap3A_331 : vector<1x16xf32> to vector<16xf32>
        %swap3A_333 = vector.shape_cast %add3A_329 : vector<16xf32> to vector<1x16xf32>
        tpu.vector_store %arg21[%swap3A, %swap3A_330], %swap3A_333 {strides = array<i32>} : memref<128x16xf32, #tpu.memory_space<vmem>>, vector<1x16xf32>,
      }
      %scan3A_179 = arith.constant 128 : i32
      "tpu.region"() ({
        %run_scoped3A_180 = tpu.sem_alloc : memref<!tpu.dma_semaphore, #tpu.memory_space<semaphore_mem>>
        %dma_start3A_181 = arith.constant 0 : i32
        %dma_start3A_182 = tpu.memref_slice %arg11[%add3A_173, %dma_start3A_181] : memref<40x128xi32, #tpu.memory_space<vmem>> -> memref<1x128xi32, #tpu.memory_space<vmem>>
        %dma_start3A_183 = tpu.memref_squeeze %dma_start3A_182 : memref<1x128xi32, #tpu.memory_space<vmem>> -> memref<128xi32, #tpu.memory_space<vmem>>
        %dma_start3A_184 = arith.constant 0 : i32
        %dma_start3A_185 = arith.constant 0 : i32
        %dma_start3A_186 = tpu.memref_slice %arg9[%dma_start3A_184, %dma_start3A_185] : memref<10240x16xf32, #tpu.memory_space<vmem_shared>> -> memref<10240x16xf32, #tpu.memory_space<vmem_shared>>
        tpu.enqueue_indirect_dma source(%arg21 : memref<128x16xf32, #tpu.memory_space<vmem>>) target(%dma_start3A_186 : memref<10240x16xf32, #tpu.memory_space<vmem_shared>>) offsets(%dma_start3A_183 : memref<128xi32, #tpu.memory_space<vmem>>) semaphore(%run_scoped3A_180 : memref<!tpu.dma_semaphore, #tpu.memory_space<semaphore_mem>>) {add = true}
        %dma_wait3A_187 = arith.constant 0 : i32
        %dma_wait3A_188 = tpu.memref_slice %arg11[%add3A_173, %dma_wait3A_187] : memref<40x128xi32, #tpu.memory_space<vmem>> -> memref<1x128xi32, #tpu.memory_space<vmem>>
        %dma_wait3A_189 = tpu.memref_squeeze %dma_wait3A_188 : memref<1x128xi32, #tpu.memory_space<vmem>> -> memref<128xi32, #tpu.memory_space<vmem>>
        %dma_wait3A_190 = arith.constant 0 : i32
        %dma_wait3A_191 = arith.constant 0 : i32
        %dma_wait3A_192 = tpu.memref_slice %arg9[%dma_wait3A_190, %dma_wait3A_191] : memref<10240x16xf32, #tpu.memory_space<vmem_shared>> -> memref<10240x16xf32, #tpu.memory_space<vmem_shared>>
        tpu.wait_indirect_dma semaphore(%run_scoped3A_180 : memref<!tpu.dma_semaphore, #tpu.memory_space<semaphore_mem>>) src(%arg21 : memref<128x16xf32, #tpu.memory_space<vmem>>) dst(%dma_wait3A_192 : memref<10240x16xf32, #tpu.memory_space<vmem_shared>>)
        tpu.yield
      }) : () -> ()
    }
    %scan3A_63 = arith.constant 20 : i32
    %barrier3A_64 = arith.constant 0 : index
    tpu.barrier barrier_id(%barrier3A_64)
    %mul3A_65 = arith.constant 640 : i32
    %mul3A_66 = arith.muli %arg1, %mul3A_65 : i32
    %mul3A_67 = arith.constant 640 : i32
    %mul3A_68 = arith.muli %arg1, %mul3A_67 : i32
    "tpu.region"() ({
      %run_scoped3A_69 = tpu.sem_alloc : memref<!tpu.dma_semaphore, #tpu.memory_space<semaphore_mem>>
      %dma_start3A_70 = arith.constant 0 : i32
      %dma_start3A_71 = tpu.memref_slice %arg8[%arg0, %mul3A_68, %dma_start3A_70] : memref<2x10240x16xf32, #tpu.memory_space<hbm>> -> memref<1x640x16xf32, #tpu.memory_space<hbm>>
      %dma_start3A_72 = tpu.memref_squeeze %dma_start3A_71 : memref<1x640x16xf32, #tpu.memory_space<hbm>> -> memref<640x16xf32, #tpu.memory_space<hbm>>
      %dma_start3A_73 = arith.constant 0 : i32
      %dma_start3A_74 = tpu.memref_slice %arg9[%mul3A_66, %dma_start3A_73] : memref<10240x16xf32, #tpu.memory_space<vmem_shared>> -> memref<640x16xf32, #tpu.memory_space<vmem_shared>>
      tpu.enqueue_dma source(%dma_start3A_74 : memref<640x16xf32, #tpu.memory_space<vmem_shared>>) target(%dma_start3A_72 : memref<640x16xf32, #tpu.memory_space<hbm>>) target_semaphore(%run_scoped3A_69 : memref<!tpu.dma_semaphore, #tpu.memory_space<semaphore_mem>>)
      %dma_wait3A = arith.constant 0 : i32
      %dma_wait3A_75 = tpu.memref_slice %arg8[%arg0, %mul3A_68, %dma_wait3A] : memref<2x10240x16xf32, #tpu.memory_space<hbm>> -> memref<1x640x16xf32, #tpu.memory_space<hbm>>
      %dma_wait3A_76 = tpu.memref_squeeze %dma_wait3A_75 : memref<1x640x16xf32, #tpu.memory_space<hbm>> -> memref<640x16xf32, #tpu.memory_space<hbm>>
      %dma_wait3A_77 = arith.constant 0 : i32
      %dma_wait3A_78 = tpu.memref_slice %arg9[%mul3A_66, %dma_wait3A_77] : memref<10240x16xf32, #tpu.memory_space<vmem_shared>> -> memref<640x16xf32, #tpu.memory_space<vmem_shared>>
      tpu.wait_dma2 semaphore(%run_scoped3A_69 : memref<!tpu.dma_semaphore, #tpu.memory_space<semaphore_mem>>) src(%dma_wait3A_78 : memref<640x16xf32, #tpu.memory_space<vmem_shared>>) dst(%dma_wait3A_76 : memref<640x16xf32, #tpu.memory_space<hbm>>)
      tpu.yield
    }) : () -> ()
    return
  }
}

module attributes {stable_mosaic.version = 14 : i64} {
  func.func @_tc_body(%arg0: i32, %arg1: memref<640x128xf32, #tpu.memory_space<vmem>>, %arg2: memref<1x128xf32, #tpu.memory_space<vmem>>, %arg3: memref<1x128xf32, #tpu.memory_space<vmem>>, %arg4: memref<128x128xf32, #tpu.memory_space<vmem>>, %arg5: memref<128x128xf32, #tpu.memory_space<vmem>>, %arg6: memref<128x16xf32, #tpu.memory_space<vmem>>, %arg7: memref<128x16xf32, #tpu.memory_space<vmem>>, %arg8: memref<1x16xf32, #tpu.memory_space<vmem>>, %arg9: memref<640x128xf32, #tpu.memory_space<vmem>>, %arg10: memref<640x128xf32, #tpu.memory_space<vmem>>, %arg11: memref<640x16xf32, #tpu.memory_space<vmem>>, %arg12: memref<640x16xf32, #tpu.memory_space<vmem>>) attributes {dimension_semantics = [#tpu.dimension_semantics<arbitrary>], iteration_bounds = array<i64: 16>, scalar_prefetch = 0 : i64, scratch_operands = 0 : i64, tpu.core_type = #tpu.core_type<tc>, window_params = [{transform_indices = @transform_0, window_bounds = array<i64: 640, 128>}, {pipeline_mode = #tpu.pipeline_mode<synchronous>, transform_indices = @transform_1, window_bounds = array<i64: 1, 128>}, {pipeline_mode = #tpu.pipeline_mode<synchronous>, transform_indices = @transform_2, window_bounds = array<i64: 1, 128>}, {pipeline_mode = #tpu.pipeline_mode<synchronous>, transform_indices = @transform_3, window_bounds = array<i64: 128, 128>}, {pipeline_mode = #tpu.pipeline_mode<synchronous>, transform_indices = @transform_4, window_bounds = array<i64: 128, 128>}, {pipeline_mode = #tpu.pipeline_mode<synchronous>, transform_indices = @transform_5, window_bounds = array<i64: 128, 16>}, {pipeline_mode = #tpu.pipeline_mode<synchronous>, transform_indices = @transform_6, window_bounds = array<i64: 128, 16>}, {pipeline_mode = #tpu.pipeline_mode<synchronous>, transform_indices = @transform_7, window_bounds = array<i64: 1, 16>}, {transform_indices = @transform_8, window_bounds = array<i64: 640, 128>}, {transform_indices = @transform_9, window_bounds = array<i64: 640, 128>}, {transform_indices = @transform_10, window_bounds = array<i64: 640, 16>}, {transform_indices = @transform_11, window_bounds = array<i64: 640, 16>}]} {
    %get3A = arith.constant 0 : index
    %get3A_0 = arith.constant 0 : index
    %get3A_1 = vector.load %arg1[%get3A, %get3A_0] : memref<640x128xf32, #tpu.memory_space<vmem>>, vector<640x128xf32>
    %reduce_sum3A = arith.constant dense<0.000000e+00> : vector<640xf32>
    %reduce_sum3A_2 = vector.multi_reduction <add>, %get3A_1, %reduce_sum3A [1] : vector<640x128xf32> to vector<640xf32>
    %broadcast_in_dim3A = vector.shape_cast %reduce_sum3A_2 : vector<640xf32> to vector<640x1xf32>
    %div3A = arith.constant 1.280000e+02 : f32
    %div3A_3 = vector.broadcast %div3A : f32 to vector<640x1xf32>
    %div3A_4 = arith.divf %broadcast_in_dim3A, %div3A_3 : vector<640x1xf32>
    %sub3A = vector.broadcast %div3A_4 : vector<640x1xf32> to vector<640x128xf32>
    %sub3A_5 = arith.subf %get3A_1, %sub3A : vector<640x128xf32>
    %integer_pow3A = arith.mulf %sub3A_5, %sub3A_5 : vector<640x128xf32>
    %reduce_sum3A_6 = arith.constant dense<0.000000e+00> : vector<640xf32>
    %reduce_sum3A_7 = vector.multi_reduction <add>, %integer_pow3A, %reduce_sum3A_6 [1] : vector<640x128xf32> to vector<640xf32>
    %broadcast_in_dim3A_8 = vector.shape_cast %reduce_sum3A_7 : vector<640xf32> to vector<640x1xf32>
    %div3A_9 = arith.constant 1.280000e+02 : f32
    %div3A_10 = vector.broadcast %div3A_9 : f32 to vector<640x1xf32>
    %div3A_11 = arith.divf %broadcast_in_dim3A_8, %div3A_10 : vector<640x1xf32>
    %sub3A_12 = vector.broadcast %div3A_4 : vector<640x1xf32> to vector<640x128xf32>
    %sub3A_13 = arith.subf %get3A_1, %sub3A_12 : vector<640x128xf32>
    %add3A = arith.constant 9.99999974E-6 : f32
    %add3A_14 = vector.broadcast %add3A : f32 to vector<640x1xf32>
    %add3A_15 = arith.addf %div3A_11, %add3A_14 : vector<640x1xf32>
    %rsqrt3A = math.rsqrt %add3A_15 : vector<640x1xf32>
    %mul3A = vector.broadcast %rsqrt3A : vector<640x1xf32> to vector<640x128xf32>
    %mul3A_16 = arith.mulf %sub3A_13, %mul3A : vector<640x128xf32>
    %get3A_17 = arith.constant 0 : index
    %get3A_18 = arith.constant 0 : index
    %get3A_19 = vector.load %arg2[%get3A_17, %get3A_18] : memref<1x128xf32, #tpu.memory_space<vmem>>, vector<1x128xf32>
    %mul3A_20 = vector.broadcast %get3A_19 : vector<1x128xf32> to vector<640x128xf32>
    %mul3A_21 = arith.mulf %mul3A_16, %mul3A_20 : vector<640x128xf32>
    %get3A_22 = arith.constant 0 : index
    %get3A_23 = arith.constant 0 : index
    %get3A_24 = vector.load %arg3[%get3A_22, %get3A_23] : memref<1x128xf32, #tpu.memory_space<vmem>>, vector<1x128xf32>
    %add3A_25 = vector.broadcast %get3A_24 : vector<1x128xf32> to vector<640x128xf32>
    %add3A_26 = arith.addf %mul3A_21, %add3A_25 : vector<640x128xf32>
    %max3A = arith.constant 0.000000e+00 : f32
    %max3A_27 = vector.broadcast %max3A : f32 to vector<640x128xf32>
    %max3A_28 = arith.maximumf %add3A_26, %max3A_27 : vector<640x128xf32>
    %get3A_29 = arith.constant 0 : index
    %get3A_30 = arith.constant 0 : index
    %get3A_31 = vector.load %arg4[%get3A_29, %get3A_30] : memref<128x128xf32, #tpu.memory_space<vmem>>, vector<128x128xf32>
    %dot_general3A = arith.constant dense<0.000000e+00> : vector<640x128xf32>
    %dot_general3A_32 = tpu.matmul %max3A_28, %get3A_31, %dot_general3A {dimension_numbers = #tpu.dot_dimension_numbers<[1], [0], [0], [1], [0, 0, 1, 1], [], []>, transpose_lhs_hint = false} : vector<640x128xf32>, vector<128x128xf32>, vector<640x128xf32> -> vector<640x128xf32>
    %swap3A = arith.constant 0 : index
    %swap3A_33 = arith.constant 0 : index
    %swap3A_34 = vector.load %arg9[%swap3A, %swap3A_33] : memref<640x128xf32, #tpu.memory_space<vmem>>, vector<640x128xf32>
    tpu.vector_store %arg9[%swap3A, %swap3A_33], %dot_general3A_32 {strides = array<i32>} : memref<640x128xf32, #tpu.memory_space<vmem>>, vector<640x128xf32>,
    %get3A_35 = arith.constant 0 : index
    %get3A_36 = arith.constant 0 : index
    %get3A_37 = vector.load %arg5[%get3A_35, %get3A_36] : memref<128x128xf32, #tpu.memory_space<vmem>>, vector<128x128xf32>
    %dot_general3A_38 = arith.constant dense<0.000000e+00> : vector<640x128xf32>
    %dot_general3A_39 = tpu.matmul %max3A_28, %get3A_37, %dot_general3A_38 {dimension_numbers = #tpu.dot_dimension_numbers<[1], [0], [0], [1], [0, 0, 1, 1], [], []>, transpose_lhs_hint = false} : vector<640x128xf32>, vector<128x128xf32>, vector<640x128xf32> -> vector<640x128xf32>
    %swap3A_40 = arith.constant 0 : index
    %swap3A_41 = arith.constant 0 : index
    %swap3A_42 = vector.load %arg10[%swap3A_40, %swap3A_41] : memref<640x128xf32, #tpu.memory_space<vmem>>, vector<640x128xf32>
    tpu.vector_store %arg10[%swap3A_40, %swap3A_41], %dot_general3A_39 {strides = array<i32>} : memref<640x128xf32, #tpu.memory_space<vmem>>, vector<640x128xf32>,
    %get3A_43 = arith.constant 0 : index
    %get3A_44 = arith.constant 0 : index
    %get3A_45 = vector.load %arg6[%get3A_43, %get3A_44] : memref<128x16xf32, #tpu.memory_space<vmem>>, vector<128x16xf32>
    %dot_general3A_46 = arith.constant dense<0.000000e+00> : vector<640x16xf32>
    %dot_general3A_47 = tpu.matmul %max3A_28, %get3A_45, %dot_general3A_46 {dimension_numbers = #tpu.dot_dimension_numbers<[1], [0], [0], [1], [0, 0, 1, 1], [], []>, transpose_lhs_hint = false} : vector<640x128xf32>, vector<128x16xf32>, vector<640x16xf32> -> vector<640x16xf32>
    %swap3A_48 = arith.constant 0 : index
    %swap3A_49 = arith.constant 0 : index
    %swap3A_50 = vector.load %arg11[%swap3A_48, %swap3A_49] : memref<640x16xf32, #tpu.memory_space<vmem>>, vector<640x16xf32>
    tpu.vector_store %arg11[%swap3A_48, %swap3A_49], %dot_general3A_47 {strides = array<i32>} : memref<640x16xf32, #tpu.memory_space<vmem>>, vector<640x16xf32>,
    %get3A_51 = arith.constant 0 : index
    %get3A_52 = arith.constant 0 : index
    %get3A_53 = vector.load %arg7[%get3A_51, %get3A_52] : memref<128x16xf32, #tpu.memory_space<vmem>>, vector<128x16xf32>
    %dot_general3A_54 = arith.constant dense<0.000000e+00> : vector<640x16xf32>
    %dot_general3A_55 = tpu.matmul %max3A_28, %get3A_53, %dot_general3A_54 {dimension_numbers = #tpu.dot_dimension_numbers<[1], [0], [0], [1], [0, 0, 1, 1], [], []>, transpose_lhs_hint = false} : vector<640x128xf32>, vector<128x16xf32>, vector<640x16xf32> -> vector<640x16xf32>
    %get3A_56 = arith.constant 0 : index
    %get3A_57 = arith.constant 0 : index
    %get3A_58 = vector.load %arg8[%get3A_56, %get3A_57] : memref<1x16xf32, #tpu.memory_space<vmem>>, vector<1x16xf32>
    %add3A_59 = vector.broadcast %get3A_58 : vector<1x16xf32> to vector<640x16xf32>
    %add3A_60 = arith.addf %dot_general3A_55, %add3A_59 : vector<640x16xf32>
    %swap3A_61 = arith.constant 0 : index
    %swap3A_62 = arith.constant 0 : index
    %swap3A_63 = vector.load %arg12[%swap3A_61, %swap3A_62] : memref<640x16xf32, #tpu.memory_space<vmem>>, vector<640x16xf32>
    tpu.vector_store %arg12[%swap3A_61, %swap3A_62], %add3A_60 {strides = array<i32>} : memref<640x16xf32, #tpu.memory_space<vmem>>, vector<640x16xf32>,
    return
  }
  func.func @transform_0(%arg0: i32) -> (i32, i32) {
    %c0_i32 = arith.constant 0 : i32
    %c0_i32_0 = arith.constant 0 : i32
    return %arg0, %c0_i32 : i32, i32
  }
  func.func @transform_1(%arg0: i32) -> (i32, i32) {
    %c0_i32 = arith.constant 0 : i32
    %c0_i32_0 = arith.constant 0 : i32
    %c0_i32_1 = arith.constant 0 : i32
    return %c0_i32, %c0_i32_0 : i32, i32
  }
  func.func @transform_2(%arg0: i32) -> (i32, i32) {
    %c0_i32 = arith.constant 0 : i32
    %c0_i32_0 = arith.constant 0 : i32
    %c0_i32_1 = arith.constant 0 : i32
    return %c0_i32, %c0_i32_0 : i32, i32
  }
  func.func @transform_3(%arg0: i32) -> (i32, i32) {
    %c0_i32 = arith.constant 0 : i32
    %c0_i32_0 = arith.constant 0 : i32
    %c0_i32_1 = arith.constant 0 : i32
    return %c0_i32, %c0_i32_0 : i32, i32
  }
  func.func @transform_4(%arg0: i32) -> (i32, i32) {
    %c0_i32 = arith.constant 0 : i32
    %c0_i32_0 = arith.constant 0 : i32
    %c0_i32_1 = arith.constant 0 : i32
    return %c0_i32, %c0_i32_0 : i32, i32
  }
  func.func @transform_5(%arg0: i32) -> (i32, i32) {
    %c0_i32 = arith.constant 0 : i32
    %c0_i32_0 = arith.constant 0 : i32
    %c0_i32_1 = arith.constant 0 : i32
    return %c0_i32, %c0_i32_0 : i32, i32
  }
  func.func @transform_6(%arg0: i32) -> (i32, i32) {
    %c0_i32 = arith.constant 0 : i32
    %c0_i32_0 = arith.constant 0 : i32
    %c0_i32_1 = arith.constant 0 : i32
    return %c0_i32, %c0_i32_0 : i32, i32
  }
  func.func @transform_7(%arg0: i32) -> (i32, i32) {
    %c0_i32 = arith.constant 0 : i32
    %c0_i32_0 = arith.constant 0 : i32
    %c0_i32_1 = arith.constant 0 : i32
    return %c0_i32, %c0_i32_0 : i32, i32
  }
  func.func @transform_8(%arg0: i32) -> (i32, i32) {
    %c0_i32 = arith.constant 0 : i32
    %c0_i32_0 = arith.constant 0 : i32
    return %arg0, %c0_i32 : i32, i32
  }
  func.func @transform_9(%arg0: i32) -> (i32, i32) {
    %c0_i32 = arith.constant 0 : i32
    %c0_i32_0 = arith.constant 0 : i32
    return %arg0, %c0_i32 : i32, i32
  }
  func.func @transform_10(%arg0: i32) -> (i32, i32) {
    %c0_i32 = arith.constant 0 : i32
    %c0_i32_0 = arith.constant 0 : i32
    return %arg0, %c0_i32 : i32, i32
  }
  func.func @transform_11(%arg0: i32) -> (i32, i32) {
    %c0_i32 = arith.constant 0 : i32
    %c0_i32_0 = arith.constant 0 : i32
    return %arg0, %c0_i32 : i32, i32
  }
}

</mosaic_0001>

<sc_bundles>
// kernel: kernel.4.cloned.1.call-start
scs
__scs_entry_jumppad:
0x0: {  	(pc) =	sbr.rel $0x88, $3  }
0x1: {  	(tag) =	ssettag $0x0;
	lr =	simm.s32 $0x1  }
0x2: {  	[smem:$0x3F98] =	sst lr;
	_ =	strace $0xD0000000  }
0x3: {  	_ = 	snop  }
0x4: {  	_ = 	snop  }
0x5: {  	_ = 	snop  }
0x6: {  	_ = 	snop  }
0x7: {  	_ = 	snop  }
__scs_overlays_trampoline_lowered:
0x8: {  	[smem:$0x3FA7] =	sst s0  }
0x9: {  	[smem:$0x3FA8] =	sst s1  }
0xa: {  	[smem:$0x3FA9] =	sst s2  }
0xb: {  	[smem:$0x3FAA] =	sst s3  }
0xc: {  	[smem:$0x3FAB] =	sst s4  }
0xd: {  	[smem:$0x3FAC] =	sst s5  }
0xe: {  	[smem:$0x3FAD] =	sst s6  }
0xf: {  	[smem:$0x3FAE] =	sst s7  }
0x10: {  	[smem:$0x3FAF] =	sst s8  }
0x11: {  	[smem:$0x3FB0] =	sst s9;
	s0 =	simm.s32 @!p0 $0x0  }
0x12: {  	s1 =	sld [smem:$0x3F96];
	s0 =	simm.s32 @p0 $0x1  }
0x13: {  	[smem:$0x3FB1] =	sst s0;
	s0 =	simm.s32 @!p1 $0x0  }
0x14: {  	s2 =	sld [smem:$0x3F95];
	s0 =	simm.s32 @p1 $0x1  }
0x15: {  	[smem:$0x3FB2] =	sst s0;
	s0 =	simm.s32 @!p2 $0x0  }
0x16: {  	s3 =	sld [smem:$0x3FDB];
	s0 =	simm.s32 @p2 $0x1  }
0x17: {  	s4 =	simm.s32 $0x1BF5;
	[smem:$0x3FB4] =	sst s0  }
0x18: {  	s0 =	sld [smem:$0x3F97];
	_ =	swait.ge [sflag:s4], $0x0  }
0x19: {  	s7 =	sld [smem:$0x3F98]  }
0x1a: {  	s8 =	sadd.s32 $0xFFFFE003, lr  }
0x1b: {  	s9 =	sadd.s32 $0xFFFFFEF7, lr;
	s5 =	simm.s32 $0xFFFFFFFF;
	p2 =	slt.u32 s8, $0xFFFFF086  }
0x1c: {  	p1 =	slt.u32 s9, $0xF7A;
	s5 =	simm.s32 @!p2 $0x0  }
0x1d: {  	s5 =	simm.s32 @p1 $0x1;
	p0 =	seq.s32 s7, s2  }
0x1e: {  	s7 =	smul.u32 @!p0 $0xF7A, s2;
	p2 =	seq.s32 @!p0 s5, $0x0  }
0x1f: {  	s9 =	smul.u32 $0xF7A, s1;
	s8 =	simm.s32 @!p0 $0x1BF5;
	p2 =	por !p2, p0  }
0x20: {  	[sflag:s8] =	ssyncset.s32 @!p0 $0xFFFFF086;
	s6 =	sadd.s32 @!p0 s3, s7;
	s7 =	simm.s32 @!p0 $0x108  }
0x21: {  	s3 =	sadd.s32 s3, s9;
	s6 =	sadd.s32 @!p0 $0x88, s6;
	s7 =	simm.s32 @p2 $0x1082  }
0x22: {  	[simem:s7], [sflag:s8] =	dma.local @!p0 [hbm:s6], $0xF7A  }
0x23: {  	s9 =	sor.u32 $0xD0000000, s2;
	s6 =	simm.s32 $0x108;
	_ =	swait.ge @!p0 [sflag:s8], $0x0  }
0x24: {  	s3 =	sadd.s32 $0x88, s3;
	s6 =	simm.s32 @!p1 $0x1082;
	[sflag:s4] =	ssyncset.s32 $0xFFFFF086  }
0x25: {  	[simem:s6], [sflag:s4] =	dma.local [hbm:s3], $0xF7A  }
0x26: {  	[smem:$0x3F98] =	sst s1;
	(tag) =	ssettag s2;
	_ =	strace s9  }
0x27: {  	s1 =	sld [smem:$0x3FA8]  }
0x28: {  	s2 =	sld [smem:$0x3FA9]  }
0x29: {  	s4 =	sld [smem:$0x3FAB]  }
0x2a: {  	p0 =	seq.s32 s5, $0x0;
	s5 =	sld [smem:$0x3FAC]  }
0x2b: {  	s6 =	sld [smem:$0x3FAD]  }
0x2c: {  	s7 =	sld [smem:$0x3FAE]  }
0x2d: {  	s3 =	simm.s32 $0x108;
	s8 =	sld [smem:$0x3FAF]  }
0x2e: {  	s3 =	simm.s32 @!p0 $0x1082;
	s9 =	sld [smem:$0x3FB0]  }
0x2f: {  	lr =	sadd.s32 s0, s3;
	s0 =	sld [smem:$0x3FA7]  }
0x30: {  	s3 =	sld [smem:$0x3FAA]  }
0x31: {  	[smem:$0x3FB3] =	sst s10  }
0x32: {  	s10 =	sld [smem:$0x3FB1];
	_ =	sdelay $0x3  }
0x33: {  	p0 =	seq.s32 s10, $0x1;
	s10 =	sld [smem:$0x3FB3];
	_ =	sdelay $0x3  }
0x34: {  	[smem:$0x3FB3] =	sst s10  }
0x35: {  	s10 =	sld [smem:$0x3FB2];
	_ =	sdelay $0x3  }
0x36: {  	p1 =	seq.s32 s10, $0x1;
	s10 =	sld [smem:$0x3FB3];
	_ =	sdelay $0x3  }
0x37: {  	[smem:$0x3FB3] =	sst s10  }
0x38: {  	s10 =	sld [smem:$0x3FB4]  }
0x39: {  	_ = 	snop;
	(pc) =	sbr.ind lr, $3  }
0x3a: {  	_ = 	snop  }
0x3b: {  	_ = 	snop  }
0x3c: {  	p2 =	seq.s32 s10, $0x1;
	s10 =	sld [smem:$0x3FB3]  }
0x3d: {  	_ =	shalt  }
0x3e: {  	_ =	shalt  }
0x3f: {  	_ =	shalt  }
0x40: {  	_ =	shalt  }
0x41: {  	_ =	shalt  }
0x42: {  	_ =	shalt  }
0x43: {  	_ =	shalt  }
0x44: {  	_ =	shalt  }
0x45: {  	_ =	shalt  }
0x46: {  	_ =	shalt  }
0x47: {  	_ =	shalt  }
0x48: {  	_ =	shalt  }
0x49: {  	_ =	shalt  }
0x4a: {  	_ =	shalt  }
0x4b: {  	_ =	shalt  }
0x4c: {  	_ =	shalt  }
0x4d: {  	_ =	shalt  }
0x4e: {  	_ =	shalt  }
0x4f: {  	_ =	shalt  }
0x50: {  	_ =	shalt  }
0x51: {  	_ =	shalt  }
0x52: {  	_ =	shalt  }
0x53: {  	_ =	shalt  }
0x54: {  	_ =	shalt  }
0x55: {  	_ =	shalt  }
0x56: {  	_ =	shalt  }
0x57: {  	_ =	shalt  }
0x58: {  	_ =	shalt  }
0x59: {  	_ =	shalt  }
0x5a: {  	_ =	shalt  }
0x5b: {  	_ =	shalt  }
0x5c: {  	_ =	shalt  }
0x5d: {  	_ =	shalt  }
0x5e: {  	_ =	shalt  }
0x5f: {  	_ =	shalt  }
0x60: {  	_ =	shalt  }
0x61: {  	_ =	shalt  }
0x62: {  	_ =	shalt  }
0x63: {  	_ =	shalt  }
0x64: {  	_ =	shalt  }
0x65: {  	_ =	shalt  }
0x66: {  	_ =	shalt  }
0x67: {  	_ =	shalt  }
0x68: {  	_ =	shalt  }
0x69: {  	_ =	shalt  }
0x6a: {  	_ =	shalt  }
0x6b: {  	_ =	shalt  }
0x6c: {  	_ =	shalt  }
0x6d: {  	_ =	shalt  }
0x6e: {  	_ =	shalt  }
0x6f: {  	_ =	shalt  }
0x70: {  	_ =	shalt  }
0x71: {  	_ =	shalt  }
0x72: {  	_ =	shalt  }
0x73: {  	_ =	shalt  }
0x74: {  	_ =	shalt  }
0x75: {  	_ =	shalt  }
0x76: {  	_ =	shalt  }
0x77: {  	_ =	shalt  }
0x78: {  	_ =	shalt  }
0x79: {  	_ =	shalt  }
0x7a: {  	_ =	shalt  }
0x7b: {  	_ =	shalt  }
0x7c: {  	_ =	shalt  }
0x7d: {  	_ =	shalt  }
0x7e: {  	_ =	shalt  }
0x7f: {  	_ =	shalt  }
0x80: {  	_ =	shalt  }
0x81: {  	_ =	shalt  }
0x82: {  	_ =	shalt  }
0x83: {  	_ =	shalt  }
0x84: {  	_ =	shalt  }
0x85: {  	_ =	shalt  }
0x86: {  	_ =	shalt  }
0x87: {  	_ =	shalt  }
.Lfunc_end0:
.L_simem_size_0:
called_computation_lowered:
.L_overlay_start_0:
0x88: {  	s2 =	sld [smem:$0x3FD9]  }
0x89: {  	s3 =	sld [smem:$0x3FFE];
	_ =	sdelay $0x1  }
0x8a: {  	s1 =	srdreg.scid  }
0x8b: {  	s0 =	sand.u32 $0x1, s1  }
0x8c: {  	s16 =	sshll.u32 s0, $0xA;
	s2 =	sadd.s32 s3, s2  }
0x8d: {  	s2 =	sadd.s32 s2, s16  }
0x8e: {  	[smem:$0x3FBF] =	sst s2  }
0x8f: {  	_ = 	snop  }
0x90: {  	(tm) =	ssettm $0x1  }
0x91: {  	s17 =	sld [smem:$0x3FFB];
	_ =	sdelay $0x3  }
0x92: {  	_ =	strace s17  }
0x93: {  	s2 =	sld [smem:$0x3FFC];
	_ =	sdelay $0x3  }
0x94: {  	_ =	strace s2  }
0x95: {  	s2 =	sld [smem:$0x3FFD];
	_ =	sdelay $0x3  }
0x96: {  	_ =	strace s2  }
0x97: {  	_ =	strace $0x8FFFFFFF  }
0x98: {  	s18 =	sld [smem:$0x3FDB];
	_ =	sdelay $0x1  }
0x99: {  	s19 =	simm.s32 $_scs_section_size  }
0x9a: {  	s4 =	simm.s32 $_size__tile_overlayer_lowered;
	s5 =	simm.s32 $_tile_overlayer_lowered  }
0x9b: {  	s22 =	simm.s32 $0x1BFF;
	s21 =	sshll.u32 s5, $0x1;
	s2 =	sadd.s32 s19, s18  }
0x9c: {  	s6 =	simm.s32 $0x0;
	s20 =	sshll.u32 s4, $0x1;
	s4 =	sadd.s32 s21, s2  }
0x9d: {  	[timem:s6], [sflag:s22] =	dma.local [hbm:s4], s20  }
0x9e: {  	_ =	swait.ge [sflag:s22], s20  }
0x9f: {  	s3 =	ssub.s32 $0x0, s20;
	[sflag:s22] =	ssyncset.done $0x0  }
0xa0: {  	[sflag:s22] =	ssyncadd.s32 s3;
	_ =	sdelay $0x1  }
0xa1: {  	s23 =	simm.s32 $0x1B8B  }
0xa2: {  	_ =	swait.ge [sflag:s23], $0x1  }
0xa3: {  	[sflag:s23] =	ssyncset.done $0x0  }
0xa4: {  	s25 =	simm.s32 $0x1B8E;
	s24 =	sld [smem:$0x3FFE];
	[sflag:s23] =	ssyncadd.s32 $0xFFFFFFFF  }
0xa5: {  	s26 =	simm.s32 $execute0_lowered;
	[smem:$0x3FD2] =	sst s25  }
0xa6: {  	s4 =	sshll.u32 s26, $0x1;
	_ =	strace $0x80000046;
	[dreg:$0x1] =	wrdreg $0xFFFFFFFF  }
0xa7: {  	s28 =	simm.s32 $_size_execute0_lowered;
	s2 =	sadd.s32 s2, s4;
	[dreg:$0x0] =	wrdreg $0x0  }
0xa8: {  	s4 =	sshll.u32 s28, $0x1;
	[dreg:$0x2] =	wrdreg s2  }
0xa9: {  	[dreg:$0x3] =	wrdreg s4  }
0xaa: {  	[dreg:$0x4] =	wrdreg $0xC0  }
0xab: {  	_ =	task [dreg:s6], $0x5FFFF  }
0xac: {  	[dreg:$0x1] =	wrdreg $0xFFFFFFFF  }
0xad: {  	[dreg:$0x0] =	wrdreg $0x60  }
0xae: {  	[dreg:$0x2] =	wrdreg s24  }
0xaf: {  	[dreg:$0x3] =	wrdreg $0x0  }
0xb0: {  	[dreg:$0x4] =	wrdreg $0x9  }
0xb1: {  	_ =	task.clear_ibuf [dreg:s6], $0x5FFFF;
	_ =	strace $0x90000046  }
0xb2: {  	s29 =	simm.s32 $0x9;
	_ =	strace $0x80000048  }
0xb3: {  	_ =	swait.ge [sflag:s29], $0x1  }
0xb4: {  	[sflag:s29] =	ssyncadd.s32 $0xFFFFFFFF  }
0xb5: {  	_ =	strace $0x90000048  }
0xb6: {  	_ =	sfence  }
0xb7: {  	s30 =	sld [smem:$0x0];
	_ =	sdelay $0x2  }
0xb8: {  	s31 =	sshll.u32 s1, $0xD;
	s1 =	sshrl.u32 s1, $0x2  }
0xb9: {  	s3 =	sand.u32 $0x4000, s31;
	s1 =	sadd.s32 s1, s30  }
0xba: {  	s0 =	sor.u32 s3, s0;
	s1 =	sshll.u32 s1, $0x11  }
0xbb: {  	s0 =	sor.u32 s1, s0  }
0xbc: {  	s0 =	sadd.s32 $0x8F2B, s0  }
0xbd: {  	[sflag:s0] =	ssyncadd.remote.s32 $0x1  }
0xbe: {  	_ =	sfence.sel $0xFFFF  }
0xbf: {  	[dreg:$0x0] =	wrdreg $0xFFFFFFFF;
	(pc) =	sbr.abs _section_cstart, $3  }
0xc0: {  	[dreg:$0x1] =	wrdreg $0xFFFFFFFF  }
0xc1: {  	_ =	task.clear_ibuf [dreg:s6], $0x2FFFF;
	_ =	strace $0x9FFFFFFF  }
0xc2: {  	(tm) =	ssettm $0x7FFFFFFF  }
0xc3: {  	_ =	shalt  }
tec
execute0_lowered:
.L_overlay_start_1:
0x0: {  	(tag) =	ssettag $0x1  }
0x1: {  	s0 =	srdreg.scid;
	s1 =	rddreg [dreg:$0x0]  }
0x2: {  	s2 =	rddreg [dreg:$0x1];
	s17 =	stileid.u32;
	s3 =	simm.s32 $0x0  }
0x3: {  	s28 =	simm.s32 $0x16800;
	s29 =	simm.s32 $0x5800;
	s30 =	simm.s32 $0x1  }
0x4: {  	s31 =	simm.s32 $0x17000;
	s0 =	sand.u32 $0x1, s0;
	[smem:$0x7FF] =	sst s3  }
0x5: {  	s5 =	sadd.s32 $0x29A00, s1;
	s6 =	sadd.s32 $0x51A00, s1;
	s9 =	smul.u32 $0x2800, s17  }
0x6: {  	s7 =	sadd.s32 $0x1A00, s1;
	s14 =	smul.u32 $0xA000, s17;
	s4 =	sshll.u32 s0, $0x4  }
0x7: {  	_ =	strace $0x80000047;
	s12 =	smul.u32 $0x28000, s0;
	s15 =	ssub.s32 $0x2, s0  }
0x8: {  	p1 =	sne.s32 s0, $0x0;
	s0 =	simm.s32 $0xA000;
	s10 =	sor.u32 s17, s4  }
0x9: {  	s13 =	sshrl.u32 s9, $0x3;
	s16 =	sshrl.u32 s15, $0x1;
	s14 =	sshrl.u32 s14, $0x2  }
0xa: {  	p2 =	seq.s32 @!p1 s17, $0xF;
	s4 =	smul.u32 $0x1400, s10;
	s13 =	sadd.s32 s13, s1  }
0xb: {  	s12 =	sadd.s32 s9, s12;
	s15 =	ssub.s32 s15, s16;
	s14 =	sadd.s32 s14, s2  }
0xc: {  	s9 =	sadd.s32 s9, s2;
	s22 =	smul.u32 $0x2800, s10;
	s19 =	sadd.s32 $0x800, s14  }
0xd: {  	p0 =	por !p2, p1;
	s20 =	sadd.s32 $0x1000, s14;
	[dreg:$0x3] =	wrdreg s19  }
0xe: {  	p1 =	por p2, p1;
	s21 =	sadd.s32 $0x1800, s14;
	[dreg:$0x4] =	wrdreg s20  }
0xf: {  	s10 =	simm.s32 $0x2;
	s14 =	sadd.s32 $0x2000, s14;
	[dreg:$0x5] =	wrdreg s21  }
0x10: {  	s12 =	sshrl.u32 s12, $0x3;
	s13 =	sadd.s32 $0x79A00, s13;
	[dreg:$0x6] =	wrdreg s14  }
0x11: {  	s8 =	sshrl.u32 s4, $0x3;
	s12 =	sadd.s32 s12, s1;
	[dreg:$0x7] =	wrdreg s13  }
0x12: {  	s11 =	sadd.s32 s8, s1;
	s8 =	sadd.s32 $0x2EFA00, s1;
	s1 =	sadd.s32 $0x7E500, s1  }
0x13: {  	s13 =	sadd.s32 $0x25800, s2;
	s26 =	sadd.s32 $0x10A00, s12;
	[dreg:$0x8] =	wrdreg s1  }
0x14: {  	s20 =	smax.u32 s15, $0x1;
	s23 =	sadd.s32 $0x6A00, s11;
	[dreg:$0xc] =	wrdreg s26  }
0x15: {  	s21 =	simm.s32 $0x18000;
	s24 =	sadd.s32 $0xBA00, s11;
	[dreg:$0x9] =	wrdreg s23  }
0x16: {  	s25 =	sadd.s32 s8, s22;
	s22 =	simm.s32 $0x3;
	[dreg:$0xa] =	wrdreg s24  }
0x17: {  	s26 =	simm.s32 $0x80;
	s11 =	simm.s32 $0x17800;
	[dreg:$0xb] =	wrdreg s25  }
0x18: {  	v0 =	vimm.f32 $0.0e+00;
	s23 =	sshrl.u32 @!p0 s13, $0x3;
	s24 =	simm.s32 $0x2800;
	s25 =	simm.s32 $0x12000  }
.LBB2_1:
0x19: {  	s1 =	simm.s32 $0x40;
	s12 =	simm.s32 $0x0  }
.LBB2_2:
0x1a: {  	p2 =	sne.s32 s1, $0x1FC0;
	[tilespmem:s12+$0x18000] =	vst v0;
	s12 =	smov.u32 s1;
	s1 =	sadd.s32 $0x40, s1  }
.Ltmp0:
0x1b: {  	(pc) =	sbr.rel @p2 .LBB2_2-.Ltmp0, $2  }
0x1c: {  	_ =	sdelay $0x2  }
0x1d: {  	s12 =	sshra.s32 s12, $0x2  }
0x1e: {  	[tilespmem:s12+$0x18000] =	vst v0  }
0x1f: {  	[spmem:s9] =	stream.linear.scatter [tilespmem:s21], [sflag:$0x3], $0x800, $0x38;
	[tilespmem:$0x18800] =	vst v63  }
0x20: {  	_ =	swait.ge [sflag:s22], $0x800  }
0x21: {  	[sflag:s22] =	ssyncset.done $0x0  }
0x22: {  	s1 =	rddreg [dreg:$0x3];
	[sflag:s22] =	ssyncadd.s32 $0xFFFFF800  }
0x23: {  	[spmem:s1] =	stream.linear.scatter [tilespmem:s21], [sflag:$0x3], $0x800, $0x38;
	[tilespmem:$0x18800] =	vst v63  }
0x24: {  	_ =	swait.ge [sflag:s22], $0x800  }
0x25: {  	[sflag:s22] =	ssyncset.done $0x0  }
0x26: {  	s15 =	rddreg [dreg:$0x4];
	[sflag:s22] =	ssyncadd.s32 $0xFFFFF800  }
0x27: {  	[spmem:s15] =	stream.linear.scatter [tilespmem:s21], [sflag:$0x3], $0x800, $0x38;
	[tilespmem:$0x18800] =	vst v63  }
0x28: {  	_ =	swait.ge [sflag:s22], $0x800  }
0x29: {  	[sflag:s22] =	ssyncset.done $0x0  }
0x2a: {  	s16 =	rddreg [dreg:$0x5];
	[sflag:s22] =	ssyncadd.s32 $0xFFFFF800  }
0x2b: {  	[spmem:s16] =	stream.linear.scatter [tilespmem:s21], [sflag:$0x3], $0x800, $0x38;
	[tilespmem:$0x18800] =	vst v63  }
0x2c: {  	_ =	swait.ge [sflag:s22], $0x800  }
0x2d: {  	[sflag:s22] =	ssyncset.done $0x0  }
0x2e: {  	s18 =	rddreg [dreg:$0x6];
	[sflag:s22] =	ssyncadd.s32 $0xFFFFF800  }
0x2f: {  	[spmem:s18] =	stream.linear.scatter [tilespmem:s21], [sflag:$0x3], $0x800, $0x38;
	[tilespmem:$0x18800] =	vst v63  }
0x30: {  	_ =	swait.ge [sflag:s22], $0x800  }
0x31: {  	[sflag:s22] =	ssyncset.done $0x0  }
0x32: {  	s1 =	simm.s32 @!p0 $0x1FC3;
	s12 =	rddreg [dreg:$0x8];
	[sflag:s22] =	ssyncadd.s32 $0xFFFFF800  }
0x33: {  	[spmem:s23], [sflag:s1] =	dma.local @!p0 [hbm:s12], $0x320  }
0x34: {  	s1 =	simm.s32 @!p0 $0x3  }
0x35: {  	_ =	swait.ge @!p0 [sflag:s1], $0x320  }
0x36: {  	s12 =	sshll.u32 @!p1 s17, $0x6;
	[sflag:s1] =	ssyncset.done @!p0 $0x0;
	s13 =	rddreg [dreg:$0x7]  }
0x37: {  	[sflag:s1] =	ssyncadd.s32 @!p0 $0xFFFFFCE0;
	s1 =	sor.u32 @!p1 $0x1C03, s12;
	s12 =	sshrl.u32 @!p1 s9, $0x3  }
0x38: {  	[spmem:s12], [sflag:s1] =	dma.local @!p1 [hbm:s13], $0x500  }
0x39: {  	s1 =	simm.s32 @!p1 $0x3  }
0x3a: {  	_ =	swait.ge @!p1 [sflag:s1], $0x500  }
0x3b: {  	[sflag:s1] =	ssyncset.done @!p1 $0x0  }
0x3c: {  	s12 =	simm.s32 $0x0;
	s19 =	rddreg [dreg:$0x9];
	[sflag:s1] =	ssyncadd.s32 @!p1 $0xFFFFFB00  }
0x3d: {  	[tilespmem:s24], [sflag:$0x3] =	stream.linear.gather [hbm4b:s19+s12], $0x1400, $0x38;
	[tilespmem:$0x18800] =	vst v63  }
0x3e: {  	_ =	swait.ge [sflag:s22], $0x1400  }
0x3f: {  	[sflag:s22] =	ssyncset.done $0x0  }
0x40: {  	s14 =	simm.s32 $0x3C00;
	s13 =	rddreg [dreg:$0xa];
	[sflag:s22] =	ssyncadd.s32 $0xFFFFEC00  }
0x41: {  	[tilespmem:s14], [sflag:$0x3] =	stream.linear.gather [hbm4b:s13+s12], $0x1400, $0x38;
	[tilespmem:$0x18800] =	vst v63  }
0x42: {  	_ =	swait.ge [sflag:s22], $0x1400  }
0x43: {  	[sflag:s22] =	ssyncset.done $0x0  }
0x44: {  	s15 =	simm.s32 $0x6000;
	[sflag:s22] =	ssyncadd.s32 $0xFFFFEC00  }
0x45: {  	[tilespmem:s15], [sflag:$0x1] =	stream.indirect.gather [hbm4b:s5+s26], $0x80, s24, s26, $0xb8;
	[tilespmem:$0x18800] =	vst v63  }
0x46: {  	s16 =	simm.s32 $0xE000  }
0x47: {  	[tilespmem:s16], [sflag:$0x1] =	stream.indirect.gather [hbm4b:s6+s26], $0x80, s24, s26, $0xb8;
	[tilespmem:$0x18800] =	vst v63  }
0x48: {  	s17 =	simm.s32 $0x16000  }
0x49: {  	[tilespmem:s17], [sflag:$0x1] =	stream.indirect.gather [hbm4b:s7+s26], $0x10, s24, s26, $0xb8;
	[tilespmem:$0x18800] =	vst v63  }
0x4a: {  	s19 =	simm.s32 $0x5000;
	s18 =	rddreg [dreg:$0xb]  }
0x4b: {  	[tilespmem:s19], [sflag:$0x1] =	stream.linear.gather [hbm4b:s18+s12], $0x800, $0x38;
	[tilespmem:$0x18800] =	vst v63  }
0x4c: {  	s13 =	simm.s32 $0x0;
	[bflag:$0x0] =	sbarrier.arrive $0xFFFF  }
.LBB2_4:
0x4d: {  	s15 =	sshll.u32 s13, $0x8  }
0x4e: {  	s1 =	sadd.s32 $0x2880, s15  }
0x4f: {  	[tilespmem:s0], [sflag:$0x2] =	stream.indirect.gather [hbm4b:s5+s26], $0x80, s1, s26, $0xb8;
	[tilespmem:$0x18800] =	vst v63  }
0x50: {  	s14 =	sor.u32 $0x80, s15  }
0x51: {  	[tilespmem:s25], [sflag:$0x2] =	stream.indirect.gather [hbm4b:s6+s26], $0x80, s1, s26, $0xb8;
	[tilespmem:$0x18800] =	vst v63  }
0x52: {  	s19 =	sadd.s32 s4, s14  }
0x53: {  	[tilespmem:s28], [sflag:$0x2] =	stream.indirect.gather [hbm4b:s7+s26], $0x10, s1, s26, $0xb8;
	[tilespmem:$0x18800] =	vst v63  }
0x54: {  	s1 =	smin.u32 s19, $0x27080  }
0x55: {  	s1 =	sshll.u32 s1, $0x1  }
0x56: {  	s1 =	sadd.s32 s8, s1  }
0x57: {  	[tilespmem:s29], [sflag:$0x2] =	stream.linear.gather [hbm4b:s1+s12], $0x800, $0x38;
	[tilespmem:$0x18800] =	vst v63  }
0x58: {  	_ =	swait.ge [sflag:s30], $0x4000  }
0x59: {  	[sflag:s30] =	ssyncset.done $0x0  }
0x5a: {  	[sflag:s30] =	ssyncadd.s32 $0xFFFFC000  }
0x5b: {  	_ =	swait.ge [sflag:s30], $0x4000  }
0x5c: {  	[sflag:s30] =	ssyncset.done $0x0  }
0x5d: {  	[sflag:s30] =	ssyncadd.s32 $0xFFFFC000  }
0x5e: {  	_ =	swait.ge [sflag:s30], $0x800  }
0x5f: {  	[sflag:s30] =	ssyncset.done $0x0  }
0x60: {  	[sflag:s30] =	ssyncadd.s32 $0xFFFFF800  }
0x61: {  	_ =	swait.ge [sflag:s30], $0x800  }
0x62: {  	[sflag:s30] =	ssyncset.done $0x0  }
0x63: {  	s18 =	simm.s32 $0x0;
	[sflag:s30] =	ssyncadd.s32 $0xFFFFF800  }
0x64: {  	v1 =	vld [tilespmem:s18+$0x5000]  }
0x65: {  	s17 =	simm.s32 $0x6040  }
0x66: {  	v2 =	vld [tilespmem:s17+$0xFFFFFFC0]  }
0x67: {  	v3 =	vld [tilespmem:s18+$0x16000]  }
0x68: {  	v4 =	vld [tilespmem:s17+$0xFFFFFFD0]  }
0x69: {  	v5 =	vbroadcast v1, $0x0  }
0x6a: {  	v6 =	vld [tilespmem:s17+$0xFFFFFFE0]  }
0x6b: {  	v38 =	vbroadcast v1, $0x1;
	v2 =	vmul.f32 v2, v5  }
0x6c: {  	v7 =	vld [tilespmem:s17+$0xFFFFFFF0]  }
0x6d: {  	v39 =	vbroadcast v1, $0x2;
	v2 =	vadd.f32 v2, v3;
	v3 =	vmul.f32 v4, v38  }
0x6e: {  	v40 =	vld [tilespmem:s17+$0x0]  }
0x6f: {  	v41 =	vbroadcast v1, $0x3;
	v2 =	vadd.f32 v3, v2;
	v3 =	vmul.f32 v6, v39  }
0x70: {  	v42 =	vld [tilespmem:s17+$0x10]  }
0x71: {  	v43 =	vbroadcast v1, $0x4;
	v2 =	vadd.f32 v3, v2;
	v3 =	vmul.f32 v7, v41  }
0x72: {  	v44 =	vld [tilespmem:s17+$0x20]  }
0x73: {  	v45 =	vbroadcast v1, $0x5;
	v2 =	vadd.f32 v3, v2;
	v3 =	vmul.f32 v40, v43  }
0x74: {  	v46 =	vld [tilespmem:s17+$0x30]  }
0x75: {  	s16 =	simm.s32 $0xE040;
	v47 =	vbroadcast v1, $0x6;
	v2 =	vadd.f32 v3, v2;
	v3 =	vmul.f32 v42, v45  }
0x76: {  	v48 =	vld [tilespmem:s16+$0xFFFFFFC0]  }
0x77: {  	v49 =	vbroadcast v1, $0x7;
	v2 =	vadd.f32 v3, v2;
	v3 =	vmul.f32 v44, v47  }
0x78: {  	v50 =	vld [tilespmem:s16+$0xFFFFFFD0]  }
0x79: {  	v51 =	vbroadcast v1, $0x8;
	v2 =	vadd.f32 v3, v2;
	v3 =	vmul.f32 v46, v49  }
0x7a: {  	v52 =	vld [tilespmem:s16+$0xFFFFFFE0]  }
0x7b: {  	v53 =	vbroadcast v1, $0x9;
	v2 =	vadd.f32 v3, v2;
	v3 =	vmul.f32 v48, v51  }
0x7c: {  	v54 =	vld [tilespmem:s16+$0xFFFFFFF0]  }
0x7d: {  	v55 =	vbroadcast v1, $0xA;
	v2 =	vadd.f32 v3, v2;
	v3 =	vmul.f32 v50, v53  }
0x7e: {  	v56 =	vld [tilespmem:s16+$0x0]  }
0x7f: {  	v57 =	vbroadcast v1, $0xB;
	v2 =	vadd.f32 v3, v2;
	v3 =	vmul.f32 v52, v55  }
0x80: {  	v58 =	vld [tilespmem:s16+$0x10]  }
0x81: {  	v59 =	vbroadcast v1, $0xC;
	v2 =	vadd.f32 v3, v2;
	v3 =	vmul.f32 v54, v57  }
0x82: {  	v60 =	vld [tilespmem:s16+$0x20]  }
0x83: {  	v61 =	vbroadcast v1, $0xD;
	v2 =	vadd.f32 v3, v2;
	v3 =	vmul.f32 v56, v59  }
0x84: {  	v62 =	vld [tilespmem:s16+$0x30]  }
0x85: {  	v63 =	vbroadcast v1, $0xE;
	v2 =	vadd.f32 v3, v2;
	v3 =	vmul.f32 v58, v61;
	_ =	sdelay $0x1  }
0x86: {  	v1 =	vbroadcast v1, $0xF;
	v2 =	vadd.f32 v3, v2;
	v3 =	vmul.f32 v60, v63;
	_ =	sdelay $0x1  }
0x87: {  	v1 =	vmul.f32 v62, v1;
	v2 =	vadd.f32 v3, v2;
	_ =	sdelay $0x1  }
0x88: {  	s19 =	simm.s32 $0x10;
	s1 =	simm.s32 $0x80;
	v1 =	vadd.f32 v1, v2  }
.LBB2_5:
0x89: {  	p2 =	sne.s32 s1, $0x1FC0;
	v2 =	vld [tilespmem:s19+$0x5000]  }
0x8a: {  	s17 =	sadd.s32 $0x80, s17;
	[tilespmem:s18+$0x17000] =	vst v1;
	s18 =	smov.u32 s19  }
0x8b: {  	v1 =	vld [tilespmem:s17+$0xFFFFFFC0]  }
0x8c: {  	v3 =	vld [tilespmem:s18+$0x16000]  }
0x8d: {  	v4 =	vld [tilespmem:s17+$0xFFFFFFD0]  }
0x8e: {  	v5 =	vbroadcast v2, $0x0  }
0x8f: {  	v6 =	vld [tilespmem:s17+$0xFFFFFFE0]  }
0x90: {  	v1 =	vmul.f32 v1, v5;
	v5 =	vbroadcast v2, $0x1  }
0x91: {  	v7 =	vld [tilespmem:s17+$0xFFFFFFF0]  }
0x92: {  	v1 =	vadd.f32 v1, v3;
	v3 =	vmul.f32 v4, v5;
	v4 =	vbroadcast v2, $0x2  }
0x93: {  	v5 =	vld [tilespmem:s17+$0x0]  }
0x94: {  	v1 =	vadd.f32 v3, v1;
	v3 =	vmul.f32 v6, v4;
	v4 =	vbroadcast v2, $0x3  }
0x95: {  	v6 =	vld [tilespmem:s17+$0x10]  }
0x96: {  	v1 =	vadd.f32 v3, v1;
	v3 =	vmul.f32 v7, v4;
	v4 =	vbroadcast v2, $0x4  }
0x97: {  	v7 =	vld [tilespmem:s17+$0x20]  }
0x98: {  	v1 =	vadd.f32 v3, v1;
	v3 =	vmul.f32 v5, v4;
	v4 =	vbroadcast v2, $0x5  }
0x99: {  	v5 =	vld [tilespmem:s17+$0x30]  }
0x9a: {  	s16 =	sadd.s32 $0x80, s16;
	v1 =	vadd.f32 v3, v1;
	v3 =	vmul.f32 v6, v4;
	v4 =	vbroadcast v2, $0x6  }
0x9b: {  	v6 =	vld [tilespmem:s16+$0xFFFFFFC0]  }
0x9c: {  	v1 =	vadd.f32 v3, v1;
	v3 =	vmul.f32 v7, v4;
	v4 =	vbroadcast v2, $0x7  }
0x9d: {  	v7 =	vld [tilespmem:s16+$0xFFFFFFD0]  }
0x9e: {  	v1 =	vadd.f32 v3, v1;
	v3 =	vmul.f32 v5, v4;
	v4 =	vbroadcast v2, $0x8  }
0x9f: {  	v5 =	vld [tilespmem:s16+$0xFFFFFFE0]  }
0xa0: {  	v1 =	vadd.f32 v3, v1;
	v3 =	vmul.f32 v6, v4;
	v4 =	vbroadcast v2, $0x9  }
0xa1: {  	v6 =	vld [tilespmem:s16+$0xFFFFFFF0]  }
0xa2: {  	v1 =	vadd.f32 v3, v1;
	v3 =	vmul.f32 v7, v4;
	v4 =	vbroadcast v2, $0xA  }
0xa3: {  	v7 =	vld [tilespmem:s16+$0x0]  }
0xa4: {  	v1 =	vadd.f32 v3, v1;
	v3 =	vmul.f32 v5, v4;
	v4 =	vbroadcast v2, $0xB  }
0xa5: {  	v5 =	vld [tilespmem:s16+$0x10]  }
0xa6: {  	v1 =	vadd.f32 v3, v1;
	v3 =	vmul.f32 v6, v4;
	v4 =	vbroadcast v2, $0xC  }
0xa7: {  	v6 =	vld [tilespmem:s16+$0x20]  }
0xa8: {  	v1 =	vadd.f32 v3, v1;
	v3 =	vmul.f32 v7, v4;
	v4 =	vbroadcast v2, $0xD  }
0xa9: {  	v7 =	vld [tilespmem:s16+$0x30]  }
0xaa: {  	v1 =	vadd.f32 v3, v1;
	v3 =	vmul.f32 v5, v4;
	v4 =	vbroadcast v2, $0xE;
	_ =	sdelay $0x1  }
.Ltmp1:
0xab: {  	v2 =	vbroadcast v2, $0xF;
	v1 =	vadd.f32 v3, v1;
	v3 =	vmul.f32 v6, v4;
	(pc) =	sbr.rel @p2 .LBB2_5-.Ltmp1, $3  }
0xac: {  	_ = 	snop  }
0xad: {  	v1 =	vadd.f32 v3, v1;
	v2 =	vmul.f32 v7, v2;
	_ =	sdelay $0x1  }
0xae: {  	s19 =	sshra.s32 s1, $0x2;
	s1 =	sadd.s32 $0x40, s1;
	v1 =	vadd.f32 v2, v1  }
0xaf: {  	v2 =	vld [tilespmem:s19+$0x5000]  }
0xb0: {  	s1 =	sadd.s32 $0x80, s17;
	[tilespmem:s18+$0x17000] =	vst v1  }
0xb1: {  	v1 =	vld [tilespmem:s1+$0xFFFFFFC0]  }
0xb2: {  	v3 =	vld [tilespmem:s19+$0x16000]  }
0xb3: {  	v4 =	vld [tilespmem:s1+$0xFFFFFFD0]  }
0xb4: {  	v5 =	vbroadcast v2, $0x0  }
0xb5: {  	v6 =	vld [tilespmem:s1+$0xFFFFFFE0]  }
0xb6: {  	v63 =	vbroadcast v2, $0x1;
	v1 =	vmul.f32 v1, v5  }
0xb7: {  	v7 =	vld [tilespmem:s1+$0xFFFFFFF0]  }
0xb8: {  	v9 =	vbroadcast v2, $0x2;
	v1 =	vadd.f32 v1, v3;
	v3 =	vmul.f32 v4, v63  }
0xb9: {  	v10 =	vld [tilespmem:s1+$0x0]  }
0xba: {  	v11 =	vbroadcast v2, $0x3;
	v1 =	vadd.f32 v3, v1;
	v3 =	vmul.f32 v6, v9  }
0xbb: {  	v12 =	vld [tilespmem:s1+$0x10]  }
0xbc: {  	v13 =	vbroadcast v2, $0x4;
	v1 =	vadd.f32 v3, v1;
	v3 =	vmul.f32 v7, v11  }
0xbd: {  	v14 =	vld [tilespmem:s1+$0x20]  }
0xbe: {  	v15 =	vbroadcast v2, $0x5;
	v1 =	vadd.f32 v3, v1;
	v3 =	vmul.f32 v10, v13  }
0xbf: {  	v16 =	vld [tilespmem:s1+$0x30]  }
0xc0: {  	s17 =	sadd.s32 $0x80, s16;
	v17 =	vbroadcast v2, $0x6;
	v1 =	vadd.f32 v3, v1;
	v3 =	vmul.f32 v12, v15  }
0xc1: {  	v18 =	vld [tilespmem:s17+$0xFFFFFFC0]  }
0xc2: {  	v19 =	vbroadcast v2, $0x7;
	v1 =	vadd.f32 v3, v1;
	v3 =	vmul.f32 v14, v17  }
0xc3: {  	v20 =	vld [tilespmem:s17+$0xFFFFFFD0]  }
0xc4: {  	v21 =	vbroadcast v2, $0x8;
	v1 =	vadd.f32 v3, v1;
	v3 =	vmul.f32 v16, v19  }
0xc5: {  	v22 =	vld [tilespmem:s17+$0xFFFFFFE0]  }
0xc6: {  	v23 =	vbroadcast v2, $0x9;
	v1 =	vadd.f32 v3, v1;
	v3 =	vmul.f32 v18, v21  }
0xc7: {  	v24 =	vld [tilespmem:s17+$0xFFFFFFF0]  }
0xc8: {  	v25 =	vbroadcast v2, $0xA;
	v1 =	vadd.f32 v3, v1;
	v3 =	vmul.f32 v20, v23  }
0xc9: {  	v26 =	vld [tilespmem:s17+$0x0]  }
0xca: {  	v27 =	vbroadcast v2, $0xB;
	v1 =	vadd.f32 v3, v1;
	v3 =	vmul.f32 v22, v25  }
0xcb: {  	v28 =	vld [tilespmem:s17+$0x10]  }
0xcc: {  	v29 =	vbroadcast v2, $0xC;
	v1 =	vadd.f32 v3, v1;
	v3 =	vmul.f32 v24, v27  }
0xcd: {  	v30 =	vld [tilespmem:s17+$0x20]  }
0xce: {  	v31 =	vbroadcast v2, $0xD;
	v1 =	vadd.f32 v3, v1;
	v3 =	vmul.f32 v26, v29  }
0xcf: {  	v32 =	vld [tilespmem:s17+$0x30]  }
0xd0: {  	v33 =	vbroadcast v2, $0xE;
	v1 =	vadd.f32 v3, v1;
	v3 =	vmul.f32 v28, v31;
	_ =	sdelay $0x1  }
0xd1: {  	v2 =	vbroadcast v2, $0xF;
	v1 =	vadd.f32 v3, v1;
	v3 =	vmul.f32 v30, v33;
	_ =	sdelay $0x1  }
0xd2: {  	v2 =	vmul.f32 v32, v2;
	v1 =	vadd.f32 v3, v1;
	_ =	sdelay $0x1  }
0xd3: {  	v1 =	vadd.f32 v2, v1  }
0xd4: {  	s18 =	sand.u32 $0x3FFFFF00, s15  }
0xd5: {  	s1 =	sadd.s32 $0x3C00, s18;
	[tilespmem:s19+$0x17000] =	vst v1  }
0xd6: {  	[spmem:s2] =	stream.indirect.scatter.add.f32 [tilespmem:s31], [sflag:$0x3], $0x10, s1, s26, $0xb8;
	[tilespmem:$0x18800] =	vst v63  }
0xd7: {  	p2 =	seq.s32 s13, $0x13;
	_ =	swait.ge [sflag:s22], $0x800  }
0xd8: {  	s16 =	simm.s32 @!p2 $0x80;
	[sflag:s22] =	ssyncset.done $0x0  }
0xd9: {  	s17 =	simm.s32 @!p2 $0x6000;
	s1 =	sadd.s32 @!p2 $0x2900, s15;
	[sflag:s22] =	ssyncadd.s32 $0xFFFFF800  }
0xda: {  	[tilespmem:s17], [sflag:$0x1] =	stream.indirect.gather @!p2 [hbm4b:s5+s16], $0x80, s1, s16, $0xb8;
	[tilespmem:$0x18800] =	vst v63  }
0xdb: {  	s17 =	simm.s32 @!p2 $0xE000  }
0xdc: {  	[tilespmem:s17], [sflag:$0x1] =	stream.indirect.gather @!p2 [hbm4b:s6+s16], $0x80, s1, s16, $0xb8;
	[tilespmem:$0x18800] =	vst v63  }
0xdd: {  	s15 =	sadd.s32 @!p2 s4, s15;
	s17 =	simm.s32 @!p2 $0x16000  }
0xde: {  	[tilespmem:s17], [sflag:$0x1] =	stream.indirect.gather @!p2 [hbm4b:s7+s16], $0x10, s1, s16, $0xb8;
	[tilespmem:$0x18800] =	vst v63  }
0xdf: {  	s1 =	sadd.s32 @!p2 $0x100, s15  }
0xe0: {  	s1 =	smin.u32 @!p2 s1, $0x27080  }
0xe1: {  	s1 =	sshll.u32 @!p2 s1, $0x1  }
0xe2: {  	s15 =	simm.s32 @!p2 $0x0;
	s16 =	simm.s32 @!p2 $0x5000;
	s1 =	sadd.s32 @!p2 s8, s1  }
0xe3: {  	[tilespmem:s16], [sflag:$0x1] =	stream.linear.gather @!p2 [hbm4b:s1+s15], $0x800, $0x38;
	[tilespmem:$0x18800] =	vst v63  }
0xe4: {  	_ =	swait.ge [sflag:s10], $0x4000  }
0xe5: {  	[sflag:s10] =	ssyncset.done $0x0  }
0xe6: {  	[sflag:s10] =	ssyncadd.s32 $0xFFFFC000  }
0xe7: {  	_ =	swait.ge [sflag:s10], $0x4000  }
0xe8: {  	[sflag:s10] =	ssyncset.done $0x0  }
0xe9: {  	[sflag:s10] =	ssyncadd.s32 $0xFFFFC000  }
0xea: {  	_ =	swait.ge [sflag:s10], $0x800  }
0xeb: {  	[sflag:s10] =	ssyncset.done $0x0  }
0xec: {  	[sflag:s10] =	ssyncadd.s32 $0xFFFFF800  }
0xed: {  	_ =	swait.ge [sflag:s10], $0x800  }
0xee: {  	[sflag:s10] =	ssyncset.done $0x0  }
0xef: {  	s17 =	simm.s32 $0x0;
	[sflag:s10] =	ssyncadd.s32 $0xFFFFF800  }
0xf0: {  	v1 =	vld [tilespmem:s17+$0x5800]  }
0xf1: {  	s16 =	simm.s32 $0xA040  }
0xf2: {  	v2 =	vld [tilespmem:s16+$0xFFFFFFC0]  }
0xf3: {  	v3 =	vld [tilespmem:s17+$0x16800]  }
0xf4: {  	v34 =	vld [tilespmem:s16+$0xFFFFFFD0]  }
0xf5: {  	v35 =	vbroadcast v1, $0x0  }
0xf6: {  	v36 =	vld [tilespmem:s16+$0xFFFFFFE0]  }
0xf7: {  	v37 =	vbroadcast v1, $0x1;
	v2 =	vmul.f32 v2, v35  }
0xf8: {  	v38 =	vld [tilespmem:s16+$0xFFFFFFF0]  }
0xf9: {  	v39 =	vbroadcast v1, $0x2;
	v2 =	vadd.f32 v2, v3;
	v3 =	vmul.f32 v34, v37  }
0xfa: {  	v40 =	vld [tilespmem:s16+$0x0]  }
0xfb: {  	v41 =	vbroadcast v1, $0x3;
	v2 =	vadd.f32 v3, v2;
	v3 =	vmul.f32 v36, v39  }
0xfc: {  	v42 =	vld [tilespmem:s16+$0x10]  }
0xfd: {  	v43 =	vbroadcast v1, $0x4;
	v2 =	vadd.f32 v3, v2;
	v3 =	vmul.f32 v38, v41  }
0xfe: {  	v44 =	vld [tilespmem:s16+$0x20]  }
0xff: {  	v45 =	vbroadcast v1, $0x5;
	v2 =	vadd.f32 v3, v2;
	v3 =	vmul.f32 v40, v43  }
0x100: {  	v46 =	vld [tilespmem:s16+$0x30]  }
0x101: {  	s15 =	simm.s32 $0x12040;
	v47 =	vbroadcast v1, $0x6;
	v2 =	vadd.f32 v3, v2;
	v3 =	vmul.f32 v42, v45  }
0x102: {  	v48 =	vld [tilespmem:s15+$0xFFFFFFC0]  }
0x103: {  	v49 =	vbroadcast v1, $0x7;
	v2 =	vadd.f32 v3, v2;
	v3 =	vmul.f32 v44, v47  }
0x104: {  	v50 =	vld [tilespmem:s15+$0xFFFFFFD0]  }
0x105: {  	v51 =	vbroadcast v1, $0x8;
	v2 =	vadd.f32 v3, v2;
	v3 =	vmul.f32 v46, v49  }
0x106: {  	v52 =	vld [tilespmem:s15+$0xFFFFFFE0]  }
0x107: {  	v53 =	vbroadcast v1, $0x9;
	v2 =	vadd.f32 v3, v2;
	v3 =	vmul.f32 v48, v51  }
0x108: {  	v54 =	vld [tilespmem:s15+$0xFFFFFFF0]  }
0x109: {  	v55 =	vbroadcast v1, $0xA;
	v2 =	vadd.f32 v3, v2;
	v3 =	vmul.f32 v50, v53  }
0x10a: {  	v56 =	vld [tilespmem:s15+$0x0]  }
0x10b: {  	v57 =	vbroadcast v1, $0xB;
	v2 =	vadd.f32 v3, v2;
	v3 =	vmul.f32 v52, v55  }
0x10c: {  	v58 =	vld [tilespmem:s15+$0x10]  }
0x10d: {  	v59 =	vbroadcast v1, $0xC;
	v2 =	vadd.f32 v3, v2;
	v3 =	vmul.f32 v54, v57  }
0x10e: {  	v60 =	vld [tilespmem:s15+$0x20]  }
0x10f: {  	v61 =	vbroadcast v1, $0xD;
	v2 =	vadd.f32 v3, v2;
	v3 =	vmul.f32 v56, v59  }
0x110: {  	v62 =	vld [tilespmem:s15+$0x30]  }
0x111: {  	v63 =	vbroadcast v1, $0xE;
	v2 =	vadd.f32 v3, v2;
	v3 =	vmul.f32 v58, v61;
	_ =	sdelay $0x1  }
0x112: {  	v1 =	vbroadcast v1, $0xF;
	v2 =	vadd.f32 v3, v2;
	v3 =	vmul.f32 v60, v63;
	_ =	sdelay $0x1  }
0x113: {  	v1 =	vmul.f32 v62, v1;
	v2 =	vadd.f32 v3, v2;
	_ =	sdelay $0x1  }
0x114: {  	s18 =	simm.s32 $0x10;
	s1 =	simm.s32 $0x80;
	v1 =	vadd.f32 v1, v2  }
.LBB2_7:
0x115: {  	p2 =	sne.s32 s1, $0x1FC0;
	v2 =	vld [tilespmem:s18+$0x5800]  }
0x116: {  	s16 =	sadd.s32 $0x80, s16;
	[tilespmem:s17+$0x17800] =	vst v1;
	s17 =	smov.u32 s18  }
0x117: {  	v1 =	vld [tilespmem:s16+$0xFFFFFFC0]  }
0x118: {  	v3 =	vld [tilespmem:s17+$0x16800]  }
0x119: {  	v4 =	vld [tilespmem:s16+$0xFFFFFFD0]  }
0x11a: {  	v5 =	vbroadcast v2, $0x0  }
0x11b: {  	v6 =	vld [tilespmem:s16+$0xFFFFFFE0]  }
0x11c: {  	v1 =	vmul.f32 v1, v5;
	v5 =	vbroadcast v2, $0x1  }
0x11d: {  	v7 =	vld [tilespmem:s16+$0xFFFFFFF0]  }
0x11e: {  	v1 =	vadd.f32 v1, v3;
	v3 =	vmul.f32 v4, v5;
	v4 =	vbroadcast v2, $0x2  }
0x11f: {  	v5 =	vld [tilespmem:s16+$0x0]  }
0x120: {  	v1 =	vadd.f32 v3, v1;
	v3 =	vmul.f32 v6, v4;
	v4 =	vbroadcast v2, $0x3  }
0x121: {  	v6 =	vld [tilespmem:s16+$0x10]  }
0x122: {  	v1 =	vadd.f32 v3, v1;
	v3 =	vmul.f32 v7, v4;
	v4 =	vbroadcast v2, $0x4  }
0x123: {  	v7 =	vld [tilespmem:s16+$0x20]  }
0x124: {  	v1 =	vadd.f32 v3, v1;
	v3 =	vmul.f32 v5, v4;
	v4 =	vbroadcast v2, $0x5  }
0x125: {  	v5 =	vld [tilespmem:s16+$0x30]  }
0x126: {  	s15 =	sadd.s32 $0x80, s15;
	v1 =	vadd.f32 v3, v1;
	v3 =	vmul.f32 v6, v4;
	v4 =	vbroadcast v2, $0x6  }
0x127: {  	v6 =	vld [tilespmem:s15+$0xFFFFFFC0]  }
0x128: {  	v1 =	vadd.f32 v3, v1;
	v3 =	vmul.f32 v7, v4;
	v4 =	vbroadcast v2, $0x7  }
0x129: {  	v7 =	vld [tilespmem:s15+$0xFFFFFFD0]  }
0x12a: {  	v1 =	vadd.f32 v3, v1;
	v3 =	vmul.f32 v5, v4;
	v4 =	vbroadcast v2, $0x8  }
0x12b: {  	v5 =	vld [tilespmem:s15+$0xFFFFFFE0]  }
0x12c: {  	v1 =	vadd.f32 v3, v1;
	v3 =	vmul.f32 v6, v4;
	v4 =	vbroadcast v2, $0x9  }
0x12d: {  	v6 =	vld [tilespmem:s15+$0xFFFFFFF0]  }
0x12e: {  	v1 =	vadd.f32 v3, v1;
	v3 =	vmul.f32 v7, v4;
	v4 =	vbroadcast v2, $0xA  }
0x12f: {  	v7 =	vld [tilespmem:s15+$0x0]  }
0x130: {  	v1 =	vadd.f32 v3, v1;
	v3 =	vmul.f32 v5, v4;
	v4 =	vbroadcast v2, $0xB  }
0x131: {  	v5 =	vld [tilespmem:s15+$0x10]  }
0x132: {  	v1 =	vadd.f32 v3, v1;
	v3 =	vmul.f32 v6, v4;
	v4 =	vbroadcast v2, $0xC  }
0x133: {  	v6 =	vld [tilespmem:s15+$0x20]  }
0x134: {  	v1 =	vadd.f32 v3, v1;
	v3 =	vmul.f32 v7, v4;
	v4 =	vbroadcast v2, $0xD  }
0x135: {  	v7 =	vld [tilespmem:s15+$0x30]  }
0x136: {  	v1 =	vadd.f32 v3, v1;
	v3 =	vmul.f32 v5, v4;
	v4 =	vbroadcast v2, $0xE;
	_ =	sdelay $0x1  }
.Ltmp2:
0x137: {  	v2 =	vbroadcast v2, $0xF;
	v1 =	vadd.f32 v3, v1;
	v3 =	vmul.f32 v6, v4;
	(pc) =	sbr.rel @p2 .LBB2_7-.Ltmp2, $3  }
0x138: {  	_ = 	snop  }
0x139: {  	v1 =	vadd.f32 v3, v1;
	v2 =	vmul.f32 v7, v2;
	_ =	sdelay $0x1  }
0x13a: {  	s18 =	sshra.s32 s1, $0x2;
	s1 =	sadd.s32 $0x40, s1;
	v1 =	vadd.f32 v2, v1  }
0x13b: {  	v2 =	vld [tilespmem:s18+$0x5800]  }
0x13c: {  	s1 =	sadd.s32 $0x80, s16;
	[tilespmem:s17+$0x17800] =	vst v1  }
0x13d: {  	v1 =	vld [tilespmem:s1+$0xFFFFFFC0]  }
0x13e: {  	v3 =	vld [tilespmem:s18+$0x16800]  }
0x13f: {  	v4 =	vld [tilespmem:s1+$0xFFFFFFD0]  }
0x140: {  	v5 =	vbroadcast v2, $0x0  }
0x141: {  	v6 =	vld [tilespmem:s1+$0xFFFFFFE0]  }
0x142: {  	v38 =	vbroadcast v2, $0x1;
	v1 =	vmul.f32 v1, v5  }
0x143: {  	v7 =	vld [tilespmem:s1+$0xFFFFFFF0]  }
0x144: {  	v39 =	vbroadcast v2, $0x2;
	v1 =	vadd.f32 v1, v3;
	v3 =	vmul.f32 v4, v38  }
0x145: {  	v40 =	vld [tilespmem:s1+$0x0]  }
0x146: {  	v41 =	vbroadcast v2, $0x3;
	v1 =	vadd.f32 v3, v1;
	v3 =	vmul.f32 v6, v39  }
0x147: {  	v42 =	vld [tilespmem:s1+$0x10]  }
0x148: {  	v43 =	vbroadcast v2, $0x4;
	v1 =	vadd.f32 v3, v1;
	v3 =	vmul.f32 v7, v41  }
0x149: {  	v44 =	vld [tilespmem:s1+$0x20]  }
0x14a: {  	v45 =	vbroadcast v2, $0x5;
	v1 =	vadd.f32 v3, v1;
	v3 =	vmul.f32 v40, v43  }
0x14b: {  	v46 =	vld [tilespmem:s1+$0x30]  }
0x14c: {  	s17 =	sadd.s32 $0x80, s15;
	v47 =	vbroadcast v2, $0x6;
	v1 =	vadd.f32 v3, v1;
	v3 =	vmul.f32 v42, v45  }
0x14d: {  	v48 =	vld [tilespmem:s17+$0xFFFFFFC0]  }
0x14e: {  	v49 =	vbroadcast v2, $0x7;
	v1 =	vadd.f32 v3, v1;
	v3 =	vmul.f32 v44, v47  }
0x14f: {  	v50 =	vld [tilespmem:s17+$0xFFFFFFD0]  }
0x150: {  	v51 =	vbroadcast v2, $0x8;
	v1 =	vadd.f32 v3, v1;
	v3 =	vmul.f32 v46, v49  }
0x151: {  	v52 =	vld [tilespmem:s17+$0xFFFFFFE0]  }
0x152: {  	v53 =	vbroadcast v2, $0x9;
	v1 =	vadd.f32 v3, v1;
	v3 =	vmul.f32 v48, v51  }
0x153: {  	v54 =	vld [tilespmem:s17+$0xFFFFFFF0]  }
0x154: {  	v55 =	vbroadcast v2, $0xA;
	v1 =	vadd.f32 v3, v1;
	v3 =	vmul.f32 v50, v53  }
0x155: {  	v56 =	vld [tilespmem:s17+$0x0]  }
0x156: {  	v57 =	vbroadcast v2, $0xB;
	v1 =	vadd.f32 v3, v1;
	v3 =	vmul.f32 v52, v55  }
0x157: {  	v58 =	vld [tilespmem:s17+$0x10]  }
0x158: {  	v59 =	vbroadcast v2, $0xC;
	v1 =	vadd.f32 v3, v1;
	v3 =	vmul.f32 v54, v57  }
0x159: {  	v60 =	vld [tilespmem:s17+$0x20]  }
0x15a: {  	v61 =	vbroadcast v2, $0xD;
	v1 =	vadd.f32 v3, v1;
	v3 =	vmul.f32 v56, v59  }
0x15b: {  	v62 =	vld [tilespmem:s17+$0x30]  }
0x15c: {  	v63 =	vbroadcast v2, $0xE;
	v1 =	vadd.f32 v3, v1;
	v3 =	vmul.f32 v58, v61;
	_ =	sdelay $0x1  }
0x15d: {  	v2 =	vbroadcast v2, $0xF;
	v1 =	vadd.f32 v3, v1;
	v3 =	vmul.f32 v60, v63;
	_ =	sdelay $0x1  }
0x15e: {  	v2 =	vmul.f32 v62, v2;
	v1 =	vadd.f32 v3, v1;
	_ =	sdelay $0x1  }
0x15f: {  	s13 =	sadd.s32 $0x1, s13;
	v1 =	vadd.f32 v2, v1  }
0x160: {  	p2 =	sne.s32 s13, $0x14  }
.Ltmp3:
0x161: {  	s19 =	sadd.s32 $0x3C00, s14;
	[tilespmem:s18+$0x17800] =	vst v1;
	(pc) =	sbr.rel @p2 .LBB2_4-.Ltmp3, $4  }
0x162: {  	[spmem:s2] =	stream.indirect.scatter.add.f32 [tilespmem:s11], [sflag:$0x3], $0x10, s19, s26, $0xb8;
	[tilespmem:$0x18800] =	vst v63  }
0x163: {  	_ =	swait.ge [sflag:s22], $0x800  }
0x164: {  	[sflag:s22] =	ssyncset.done $0x0  }
0x165: {  	[sflag:s22] =	ssyncadd.s32 $0xFFFFF800  }
0x166: {  	s17 =	stileid.u32;
	[bflag:$0x0] =	sbarrier.arrive $0xFFFF;
	s3 =	sadd.s32 $0x1, s3  }
0x167: {  	s12 =	sshrl.u32 s9, $0x3;
	s1 =	sshll.u32 s17, $0x6;
	p2 =	sne.s32 s3, s20  }
.Ltmp4:
0x168: {  	s13 =	rddreg [dreg:$0xc];
	s1 =	sor.u32 $0x1C03, s1;
	(pc) =	sbr.rel @p2 .LBB2_1-.Ltmp4, $4  }
0x169: {  	[hbm:s13], [sflag:s1] =	dma.local [spmem:s12], $0x500  }
0x16a: {  	_ =	swait.ge [sflag:s22], $0x500  }
0x16b: {  	[sflag:s22] =	ssyncset.done $0x0  }
0x16c: {  	[sflag:s22] =	ssyncadd.s32 $0xFFFFFB00  }
0x16d: {  	_ =	sfence.sel $0x180000  }
0x16e: {  	[bflag:$0x0] =	sbarrier.arrive $0xFFFF  }
0x16f: {  	_ =	strace $0x90000047  }
0x170: {  	[bflag:$0x2] =	sbarrier.arrive $0xFFFF  }
0x171: {  	p0 =	sne.s32 s17, $0x0;
	s0 =	rddreg [dreg:$0x2]  }
0x172: {  	s0 =	sadd.s32 @!p0 $0x100000, s0  }
0x173: {  	[sflag:s0] =	ssyncadd.tile.s32 @!p0 $0x1;
	_ =	shalt  }
.Lfunc_end2:
_tile_overlayer_lowered:
.L_overlay_start_2:
0x174: {  	(tag) =	ssettag $0x2  }
0x175: {  	s0 =	rddreg [dreg:$0x0];
	s2 =	stileid.u32  }
0x176: {  	s1 =	rddreg [dreg:$0x1];
	p0 =	sne.s32 s2, $0x0  }
0x177: {  	s3 =	rddreg [dreg:$0x2];
	[bflag:$0x3] =	sbarrier.arrive $0xFFFF;
	s2 =	simm.s32 @!p0 $0x1C03  }
0x178: {  	[timem:s3], [sflag:s2] =	dma.local @!p0 [hbm:s0], s1  }
0x179: {  	s0 =	simm.s32 @!p0 $0x3  }
0x17a: {  	_ =	swait.ge @!p0 [sflag:s0], s1  }
0x17b: {  	s1 =	ssub.s32 @!p0 $0x0, s1;
	[sflag:s0] =	ssyncset.done @!p0 $0x0  }
0x17c: {  	[sflag:s0] =	ssyncadd.s32 @!p0 s1  }
0x17d: {  	[bflag:$0x3] =	sbarrier.arrive $0xFFFF  }
0x17e: {  	_ =	shalt  }

</sc_bundles>
